<compile_context>
chip_gen: v7x
topology: tpu7x:2x2x1
jax: 0.10.2.dev20260603
libtpu: 0.0.44.dev20260713+nightly
codegen_flags: <defaults>
</compile_context>

<pallas_src>
import functools

import jax
import jax.numpy as jnp
import numpy as np
from jax import lax
from jax.experimental import pallas as pl
from jax.experimental.pallas import tpu as pltpu
from jax.experimental.pallas import tpu_sc as plsc

N, M, H, W = 16, 3, 512, 512
HW = H * W
K = 2048
K_OVER = 6144
K_IMP = 1536
K_REM = 512
K_ALL = K_OVER + K_REM
FOCAL_ALPHA = 0.25
FOCAL_GAMMA = 2.0
W_MASK = 20.0
W_DICE = 1.0
W_IOU = 1.0
NUM_OBJECTS = 16.0

SRC_TOT = M * N * K_ALL
TGT_TOT = N * K_ALL



def _tf2x32(k0, k1, x0, x1):
    rot_a = (13, 15, 26, 6)
    rot_b = (17, 29, 16, 24)
    ks2 = k0 ^ k1 ^ np.uint32(0x1BD11BDA)

    def rounds(x0, x1, rots):
        for r in rots:
            x0 = (x0 + x1).astype(np.uint32)
            x1 = ((x1 << np.uint32(r)) | (x1 >> np.uint32(32 - r))) ^ x0
        return x0, x1

    x0 = (x0 + k0).astype(np.uint32)
    x1 = (x1 + k1).astype(np.uint32)
    for i, (ka, kb, rots) in enumerate(
            [(k1, ks2, rot_a), (ks2, k0, rot_b), (k0, k1, rot_a),
             (k1, ks2, rot_b), (ks2, k0, rot_a)]):
        x0, x1 = rounds(x0, x1, rots)
        x0 = (x0 + ka).astype(np.uint32)
        x1 = (x1 + kb + np.uint32(i + 1)).astype(np.uint32)
    return x0, x1


def _np_threefry(k, n):
    x1 = np.arange(n, dtype=np.uint32)
    x0 = np.zeros(n, np.uint32)
    return _tf2x32(np.uint32(k[0]), np.uint32(k[1]), x0, x1)


def _np_bits(k, n):
    r0, r1 = _np_threefry(k, n)
    return r0 ^ r1


def _np_split(k, num):
    r0, r1 = _np_threefry(k, num)
    return np.stack([r0, r1], 1)


def _np_randint(k, shape, span):
    size = int(np.prod(shape))
    ka, kb = _np_split(k, 2)
    u = _np_bits(ka, size)
    v = _np_bits(kb, size)
    span_u = np.uint32(span)
    mult = np.uint32((int(np.uint32(65536 % span_u)) ** 2) % span_u)
    res = (((u % span_u) * mult).astype(np.uint32) + v % span_u) % span_u
    return res.astype(np.int32).reshape(shape)


@functools.lru_cache(maxsize=1)
def _point_indices():
    ky, kx, ky2, kx2 = _np_split(np.array([0, 1234], np.uint32), 4)
    y_rand = _np_randint(ky, (N, K_OVER), H)
    x_rand = _np_randint(kx, (N, K_OVER), W)
    y_rest = _np_randint(ky2, (N, K_REM), H)
    x_rest = _np_randint(kx2, (N, K_REM), W)
    y = np.concatenate([y_rand, y_rest], axis=1)
    x = np.concatenate([x_rand, x_rest], axis=1)
    phys = (((y // 8) * (W // 128) + x // 128) * 1024
            + (y % 8) * 128 + x % 128).astype(np.int32)
    n_ids = np.arange(N, dtype=np.int32)[:, None]
    tgt_idx = (n_ids * HW + phys).astype(np.int32)
    tgt_idx = tgt_idx.reshape(N // 8, 8, K_ALL // 128, 128)
    tgt_idx = tgt_idx.transpose(0, 2, 1, 3)
    return np.ascontiguousarray(tgt_idx).reshape(-1)


_TGT_IDX_NP = _point_indices()


def _phys_flat(a):
    lead = a.shape[:-2]
    b = a.reshape(*lead, H // 8, 8, W // 128, 128)
    nd = b.ndim
    perm = tuple(range(nd - 4)) + (nd - 4, nd - 2, nd - 3, nd - 1)
    return b.transpose(*perm).reshape(-1)



def _build_sc_gather():
    info = plsc.get_sparse_core_info()
    nw = info.num_cores * info.num_subcores
    tgt_per = TGT_TOT // nw
    assert TGT_TOT % nw == 0 and tgt_per % 8 == 0 and tgt_per % 16 == 0
    mesh = plsc.VectorSubcoreMesh(core_axis_name="c", subcore_axis_name="s")

    @functools.partial(
        pl.kernel,
        out_type=[
            jax.ShapeDtypeStruct((SRC_TOT,), jnp.float32),
            jax.ShapeDtypeStruct((TGT_TOT,), jnp.float32),
        ],
        mesh=mesh,
        scratch_types=[
            pltpu.VMEM((tgt_per,), jnp.int32),
            pltpu.VMEM((tgt_per,), jnp.int32),
            pltpu.VMEM((tgt_per,), jnp.int32),
            pltpu.VMEM((tgt_per,), jnp.int32),
            pltpu.VMEM((tgt_per,), jnp.float32),
            pltpu.VMEM((tgt_per,), jnp.float32),
            pltpu.VMEM((tgt_per,), jnp.float32),
            pltpu.VMEM((tgt_per,), jnp.float32),
            pltpu.SemaphoreType.DMA,
            pltpu.SemaphoreType.DMA,
            pltpu.SemaphoreType.DMA,
            pltpu.SemaphoreType.DMA,
        ],
    )
    def gather(src_flat, tgt_idx, tgt_flat, src_out, tgt_out,
               tidx_v, s0_v, s1_v, s2_v, v0, v1, v2, vt,
               sem0, sem1, sem2, semt):
        wid = lax.axis_index("s") * info.num_cores + lax.axis_index("c")
        tbase = wid * tgt_per
        pltpu.sync_copy(tgt_idx.at[pl.ds(tbase, tgt_per)], tidx_v)

        lanes = lax.iota(jnp.int32, 16)

        def body(k, carry):
            p = tbase + k * 16 + lanes
            n_hi = jnp.where(p >= jnp.int32(TGT_TOT // 2),
                             jnp.int32(8), jnp.int32(0))
            n = n_hi + ((p >> 7) & 7)
            ti = tidx_v[pl.ds(k * 16, 16)]
            base = ti + n * jnp.int32(2 * HW)
            s0_v[pl.ds(k * 16, 16)] = base
            s1_v[pl.ds(k * 16, 16)] = base + jnp.int32(HW)
            s2_v[pl.ds(k * 16, 16)] = base + jnp.int32(2 * HW)
            return carry

        lax.fori_loop(0, tgt_per // 16, body, 0, unroll=4)

        cp0 = pltpu.async_copy(src_flat.at[s0_v], v0, sem0)
        cp1 = pltpu.async_copy(src_flat.at[s1_v], v1, sem1)
        cp2 = pltpu.async_copy(src_flat.at[s2_v], v2, sem2)
        cpt = pltpu.async_copy(tgt_flat.at[tidx_v], vt, semt)
        cp0.wait()
        cp1.wait()
        cp2.wait()
        cpt.wait()
        pltpu.sync_copy(v0, src_out.at[pl.ds(tbase, tgt_per)])
        pltpu.sync_copy(v1, src_out.at[pl.ds(TGT_TOT + tbase, tgt_per)])
        pltpu.sync_copy(v2, src_out.at[pl.ds(2 * TGT_TOT + tbase, tgt_per)])
        pltpu.sync_copy(vt, tgt_out.at[pl.ds(tbase, tgt_per)])

    return gather



def _iou_body(src_ref, tgt_ref, out_i, out_u):
    i = pl.program_id(0)

    @pl.when(i == 0)
    def _init():
        out_i[...] = jnp.zeros_like(out_i)
        out_u[...] = jnp.zeros_like(out_u)

    pred = src_ref[...].reshape(4 * M * 2048, 128) > 0.0
    gt2 = tgt_ref[...].reshape(4 * 2048, 128) > 0.0
    for img in range(4):
        gt = gt2[img * 2048:(img + 1) * 2048]
        sums = []
        for m in range(M):
            lo = (img * M + m) * 2048
            pm = pred[lo:lo + 2048]
            it = jnp.logical_and(pm, gt).astype(jnp.float32)
            un = jnp.logical_or(pm, gt).astype(jnp.float32)
            sums.append((jnp.sum(it, axis=(0, 1), keepdims=True),
                         jnp.sum(un, axis=(0, 1), keepdims=True)))
        isum = jnp.concatenate([s[0] for s in sums], axis=0)
        usum = jnp.concatenate([s[1] for s in sums], axis=0)
        colf = (lax.broadcasted_iota(jnp.int32, (1, N), 1)
                == (4 * i + img)).astype(jnp.float32)
        out_i[...] += isum * colf
        out_u[...] += usum * colf


def _iou_counts(src_flat, tgt_flat):
    return pl.pallas_call(
        _iou_body,
        grid=(N // 4,),
        in_specs=[
            pl.BlockSpec((4 * M * HW,), lambda i: (i,)),
            pl.BlockSpec((4 * HW,), lambda i: (i,)),
        ],
        out_specs=[
            pl.BlockSpec((M, N), lambda i: (0, 0)),
            pl.BlockSpec((M, N), lambda i: (0, 0)),
        ],
        out_shape=[
            jax.ShapeDtypeStruct((M, N), jnp.float32),
            jax.ShapeDtypeStruct((M, N), jnp.float32),
        ],
    )(src_flat, tgt_flat)


def _combine_body(sv_ref, tv_ref, piou_ref, acci_ref, accu_ref, out_ref):
    if True:
        sv = sv_ref[...]
        tv = tv_ref[...]

        aabs = jnp.abs(sv)
        u = -(((aabs[0] + aabs[1]) + aabs[2]) / 3.0)
        uc = u[:, :K_OVER]
        bits = lax.bitcast_convert_type(uc, jnp.uint32)
        neg = bits >= jnp.uint32(0x80000000)
        ukey = jnp.where(neg, ~bits, bits | jnp.uint32(0x80000000))

        T = jnp.zeros((N, 1), dtype=jnp.uint32)
        for bit in range(31, -1, -1):
            Tt = T | jnp.uint32(1 << bit)
            cnt = jnp.sum((ukey >= Tt).astype(jnp.int32), axis=1,
                          keepdims=True)
            T = jnp.where(cnt >= K_IMP, Tt, T)
        cnt_gt = jnp.sum((ukey > T).astype(jnp.int32), axis=1, keepdims=True)
        need = K_IMP - cnt_gt
        eq = ukey == T
        jio = lax.broadcasted_iota(jnp.int32, (N, K_OVER), 1)
        Mv = jnp.full((N, 1), 8191, dtype=jnp.int32)
        for bit in range(12, -1, -1):
            Mt = Mv & jnp.int32(~(1 << bit))
            cle = jnp.sum(jnp.logical_and(eq, jio <= Mt).astype(jnp.int32),
                          axis=1, keepdims=True)
            Mv = jnp.where(cle >= need, Mt, Mv)
        sel = jnp.logical_or(ukey > T, jnp.logical_and(eq, jio <= Mv))
        wsel = jnp.concatenate(
            [sel.astype(jnp.float32),
             jnp.ones((N, K_REM), dtype=jnp.float32)], axis=1)

        x = sv
        t = tv[None, :, :]
        wgt = wsel[None, :, :]
        E = jnp.exp(-jnp.abs(x))
        R = 1.0 / (1.0 + E)
        prob = jnp.where(x >= 0.0, R, E * R)
        ce = jnp.maximum(x, 0.0) - x * t + jnp.log1p(E)
        omp = t * (1.0 - prob) + (1.0 - t) * prob
        alpha_t = FOCAL_ALPHA * t + (1.0 - FOCAL_ALPHA) * (1.0 - t)
        focal = alpha_t * ce * omp * omp
        lm = jnp.sum(focal * wgt, axis=2) / (K * NUM_OBJECTS)

        num = 2.0 * jnp.sum(prob * t * wgt, axis=2)
        den = jnp.sum(prob * wgt, axis=2) + jnp.sum(t * wgt, axis=2)
        ld = (1.0 - (num + 1.0) / (den + 1.0)) / NUM_OBJECTS

        act = acci_ref[...] / jnp.maximum(accu_ref[...], 1.0)
        li = (piou_ref[...] - act) ** 2 / NUM_OBJECTS

        combo = lm * W_MASK + ld * W_DICE
        c0, c1, c2 = combo[0:1], combo[1:2], combo[2:3]
        b0 = jnp.logical_and(c0 <= c1, c0 <= c2)
        b1 = jnp.logical_and(jnp.logical_not(b0), c1 <= c2)

        def pick(a):
            return jnp.where(b0, a[0:1], jnp.where(b1, a[1:2], a[2:3]))

        def s11(a):
            return jnp.sum(a, axis=1, keepdims=True)

        total = (W_MASK * s11(pick(lm))
                 + W_DICE * s11(pick(ld))
                 + W_IOU * s11(pick(li)))
        out_ref[...] = total


def _tc_combine(src_vals, tgt_vals, pred_ious_t, acc_i, acc_u,
                interpret=False):
    return pl.pallas_call(
        _combine_body,
        in_specs=[
            pl.BlockSpec((M, N, K_ALL), lambda: (0, 0, 0)),
            pl.BlockSpec((N, K_ALL), lambda: (0, 0)),
            pl.BlockSpec((M, N), lambda: (0, 0)),
            pl.BlockSpec((M, N), lambda: (0, 0)),
            pl.BlockSpec((M, N), lambda: (0, 0)),
        ],
        out_specs=pl.BlockSpec((1, 1), lambda: (0, 0)),
        out_shape=jax.ShapeDtypeStruct((1, 1), jnp.float32),
        interpret=interpret,
    )(src_vals, tgt_vals, pred_ious_t, acc_i, acc_u)


def kernel(src_masks, pred_ious, targets_batch):
    src_flat = _phys_flat(src_masks)
    tgt_flat = _phys_flat(targets_batch.reshape(N, H, W))
    tidx = jnp.asarray(_TGT_IDX_NP)
    acc_i, acc_u = _iou_counts(src_flat, tgt_flat)
    gather = _build_sc_gather()
    src_g, tgt_g = gather(src_flat, tidx, tgt_flat)
    src_vals = (src_g.reshape(M, N // 8, K_ALL // 128, 8, 128)
                .transpose(0, 1, 3, 2, 4).reshape(M, N, K_ALL))
    tgt_vals = (tgt_g.reshape(N // 8, K_ALL // 128, 8, 128)
                .transpose(0, 2, 1, 3).reshape(N, K_ALL))
    total = _tc_combine(
        src_vals,
        tgt_vals,
        jnp.transpose(pred_ious),
        acc_i,
        acc_u,
    )
    return total[0, 0]

# --- scband reference (transcript-rebuilt; emitter-appended) ---
"""Pipeline reference for scband-multi-step-multi-points-and-ious-6906307412524 (READ-ONLY COPY).

The authoritative reference and input builder live on the scoring server;
editing this copy changes nothing except your own understanding.
"""

import jax, jax.numpy as jnp
import numpy as np

NUM_POINTS = 2048
OVERSAMPLE_RATIO = 3.0
IMPORTANCE_SAMPLE_RATIO = 0.75
FOCAL_ALPHA = 0.25
FOCAL_GAMMA = 2.0
W_MASK = 20.0
W_DICE = 1.0
W_IOU = 1.0
SUPERVISE_ALL_IOU = False
IOU_USE_L1 = False


def setup_inputs(seed: int = 0):
    key = jax.random.key(seed)
    k1, k2, k3 = jax.random.split(key, 3)
    N, M, H, W = 16, 3, 512, 512
    src_masks = 2.0 * jax.random.normal(k1, (N, M, H, W), dtype=jnp.float32)
    pred_ious = jax.random.uniform(k2, (N, M), dtype=jnp.float32)
    targets_batch = (jax.random.uniform(k3, (1, N, H, W)) > 0.5).astype(jnp.float32)
    return {"src_masks": src_masks, "pred_ious": pred_ious, "targets_batch": targets_batch}


def _sample_points_by_uncertainty(logits, key):
    # mirrors sample_points_by_uncertainty (torch.no_grad -> stop_gradient on coords)
    N, C, H, W = logits.shape
    K = NUM_POINTS
    K_over = max(int(K * OVERSAMPLE_RATIO), K)
    K_imp = min(K, int(K * IMPORTANCE_SAMPLE_RATIO))
    ky, kx, ky2, kx2 = jax.random.split(key, 4)
    y_rand = jax.random.randint(ky, (N, K_over), 0, H)
    x_rand = jax.random.randint(kx, (N, K_over), 0, W)
    inds = y_rand * W + x_rand
    flat = logits.reshape(N, C, H * W)
    cand = jnp.take_along_axis(flat, inds[:, None, :], axis=2)
    uncertainty = -jnp.abs(cand).mean(axis=1)
    _, topk_idx = jax.lax.top_k(uncertainty, K_imp)
    y_top = jnp.take_along_axis(y_rand, topk_idx, axis=1)
    x_top = jnp.take_along_axis(x_rand, topk_idx, axis=1)
    K_rem = K - K_imp
    y_rest = jax.random.randint(ky2, (N, K_rem), 0, H)
    x_rest = jax.random.randint(kx2, (N, K_rem), 0, W)
    y_idx = jnp.concatenate([y_top, y_rest], axis=1)
    x_idx = jnp.concatenate([x_top, x_rest], axis=1)
    return jax.lax.stop_gradient(y_idx), jax.lax.stop_gradient(x_idx)


def _gather_points(maps, y_idx, x_idx):
    # mirrors _gather_points_from_maps
    N, C, H, W = maps.shape
    lin = y_idx * W + x_idx
    flat = maps.reshape(N, C, H * W)
    return jnp.take_along_axis(flat, lin[:, None, :], axis=2)


def _sigmoid_focal_loss_mm(inputs, targets, num_objects):
    prob = jax.nn.sigmoid(inputs)
    ce = jnp.maximum(inputs, 0.0) - inputs * targets + jnp.log1p(jnp.exp(-jnp.abs(inputs)))
    p_t = prob * targets + (1 - prob) * (1 - targets)
    loss = ce * (1 - p_t) ** FOCAL_GAMMA
    alpha_t = FOCAL_ALPHA * targets + (1 - FOCAL_ALPHA) * (1 - targets)
    loss = alpha_t * loss
    N, M = loss.shape[0], loss.shape[1]
    return loss.reshape(N, M, -1).mean(-1) / num_objects


def _dice_loss_mm(inputs, targets, num_objects):
    p = jax.nn.sigmoid(inputs)
    numerator = 2.0 * (p * targets).sum(-1)
    denominator = p.sum(-1) + targets.sum(-1)
    loss = 1.0 - (numerator + 1.0) / (denominator + 1.0)
    return loss / num_objects


def _iou_loss_mm(inputs, targets, pred_ious, num_objects):
    # full-resolution mask IoU, mirrors iou_loss(loss_on_multimask=True)
    N, M = inputs.shape[0], inputs.shape[1]
    pred_mask = inputs.reshape(N, M, -1) > 0
    gt_mask = targets.reshape(targets.shape[0], targets.shape[1], -1) > 0
    area_i = (pred_mask & gt_mask).sum(-1).astype(jnp.float32)
    area_u = (pred_mask | gt_mask).sum(-1).astype(jnp.float32)
    actual_ious = area_i / jnp.maximum(area_u, 1.0)
    if IOU_USE_L1:
        loss = jnp.abs(pred_ious - actual_ious)
    else:
        loss = (pred_ious - actual_ious) ** 2
    return loss / num_objects


def reference(src_masks, pred_ious, targets_batch):
    N, M, H, W = src_masks.shape
    num_objects = jnp.maximum(jnp.asarray(targets_batch.shape[1], dtype=jnp.float32), 1.0)
    target_masks = targets_batch[0][:, None, :, :]  # [N,1,H,W]
    key = jax.random.key(1234)
    y_idx, x_idx = _sample_points_by_uncertainty(jax.lax.stop_gradient(src_masks), key)
    src_pts = _gather_points(src_masks, y_idx, x_idx)      # [N,M,K]
    tgt_pts = _gather_points(target_masks, y_idx, x_idx)   # [N,1,K]
    tgt_pts = jnp.broadcast_to(tgt_pts, src_pts.shape)
    loss_multimask = _sigmoid_focal_loss_mm(src_pts, tgt_pts, num_objects)   # [N,M]
    loss_multidice = _dice_loss_mm(src_pts, tgt_pts, num_objects)            # [N,M]
    loss_multiiou = _iou_loss_mm(src_masks, target_masks, pred_ious, num_objects)  # [N,M]
    if M > 1:
        combo = loss_multimask * W_MASK + loss_multidice * W_DICE
        best = jnp.argmin(combo, axis=-1)[:, None]
        loss_mask = jnp.take_along_axis(loss_multimask, best, axis=-1)
        loss_dice = jnp.take_along_axis(loss_multidice, best, axis=-1)
        if SUPERVISE_ALL_IOU:
            loss_iou = loss_multiiou.mean(axis=-1, keepdims=True)
        else:
            loss_iou = jnp.take_along_axis(loss_multiiou, best, axis=-1)
    else:
        loss_mask, loss_dice, loss_iou = loss_multimask, loss_multidice, loss_multiiou
    total = W_MASK * loss_mask.sum() + W_DICE * loss_dice.sum() + W_IOU * loss_iou.sum()
    return total

if __name__ == "__main__":
    import jax
    _d = setup_inputs()
    print(jax.jit(kernel)(*tuple(_d.values())))

</pallas_src>

<mosaic_0001>
#map = affine_map<(d0, d1) -> (0)>
module attributes {stable_mosaic.version = 14 : i64} {
  func.func @gather(%arg0: i32, %arg1: i32, %arg2: memref<12582912xf32, #tpu.memory_space<hbm>>, %arg3: memref<106496xi32, #tpu.memory_space<hbm>>, %arg4: memref<4194304xf32, #tpu.memory_space<hbm>>, %arg5: memref<319488xf32, #tpu.memory_space<hbm>>, %arg6: memref<106496xf32, #tpu.memory_space<hbm>>, %arg7: memref<3328xi32, #tpu.memory_space<vmem>>, %arg8: memref<3328xi32, #tpu.memory_space<vmem>>, %arg9: memref<3328xi32, #tpu.memory_space<vmem>>, %arg10: memref<3328xi32, #tpu.memory_space<vmem>>, %arg11: memref<3328xf32, #tpu.memory_space<vmem>>, %arg12: memref<3328xf32, #tpu.memory_space<vmem>>, %arg13: memref<3328xf32, #tpu.memory_space<vmem>>, %arg14: memref<3328xf32, #tpu.memory_space<vmem>>, %arg15: memref<!tpu.dma_semaphore, #tpu.memory_space<semaphore_mem>>, %arg16: memref<!tpu.dma_semaphore, #tpu.memory_space<semaphore_mem>>, %arg17: memref<!tpu.dma_semaphore, #tpu.memory_space<semaphore_mem>>, %arg18: memref<!tpu.dma_semaphore, #tpu.memory_space<semaphore_mem>>) attributes {dimension_semantics = [#tpu.dimension_semantics<core_parallel>, #tpu.dimension_semantics<subcore_parallel>], iteration_bounds = array<i64: 2, 16>, scalar_prefetch = 0 : i64, scratch_operands = 12 : i64, tpu.core_type = #tpu.core_type<sc_vector_subcore>, window_params = [{transform_indices = #map}, {transform_indices = #map}, {transform_indices = #map}, {transform_indices = #map}, {transform_indices = #map}]} {
    %mul3A = arith.constant 2 : i32
    %mul3A_0 = arith.muli %arg1, %mul3A : i32
    %add3A = arith.addi %mul3A_0, %arg0 : i32
    %mul3A_1 = arith.constant 3328 : i32
    %mul3A_2 = arith.muli %add3A, %mul3A_1 : i32
    "tpu.region"() ({
      %run_scoped3A = tpu.sem_alloc : memref<!tpu.dma_semaphore, #tpu.memory_space<semaphore_mem>>
      %dma_start3A_26 = tpu.memref_slice %arg3[%mul3A_2] : memref<106496xi32, #tpu.memory_space<hbm>> -> memref<3328xi32, #tpu.memory_space<hbm>>
      %dma_start3A_27 = tpu.memref_slice %arg3[%mul3A_2] : memref<106496xi32, #tpu.memory_space<hbm>> -> memref<3328xi32, #tpu.memory_space<hbm>>
      tpu.enqueue_dma source(%dma_start3A_27 : memref<3328xi32, #tpu.memory_space<hbm>>) target(%arg7 : memref<3328xi32, #tpu.memory_space<vmem>>) target_semaphore(%run_scoped3A : memref<!tpu.dma_semaphore, #tpu.memory_space<semaphore_mem>>)
      %dma_wait3A_28 = tpu.memref_slice %arg3[%mul3A_2] : memref<106496xi32, #tpu.memory_space<hbm>> -> memref<3328xi32, #tpu.memory_space<hbm>>
      %dma_wait3A_29 = tpu.memref_slice %arg3[%mul3A_2] : memref<106496xi32, #tpu.memory_space<hbm>> -> memref<3328xi32, #tpu.memory_space<hbm>>
      tpu.wait_dma2 semaphore(%run_scoped3A : memref<!tpu.dma_semaphore, #tpu.memory_space<semaphore_mem>>) src(%dma_wait3A_29 : memref<3328xi32, #tpu.memory_space<hbm>>) dst(%arg7 : memref<3328xi32, #tpu.memory_space<vmem>>)
      tpu.yield
    }) : () -> ()
    %iota3A = tpu.iota {dimensions = array<i32: 0>} : vector<16xi32>
    %scan3A = arith.constant 0 : i32
    %scan3A_3 = arith.constant 0 : i32
    %scan3A_4 = arith.constant 208 : i32
    %scan3A_5 = arith.addi %scan3A_3, %scan3A_4 : i32
    %scan3A_6 = arith.constant 4 : i32
    scf.for %scan3A_26 = %scan3A_3 to %scan3A_5 step %scan3A_6  : i32 {
      %mul3A_27 = arith.constant 16 : i32
      %mul3A_28 = arith.muli %scan3A_26, %mul3A_27 : i32
      %add3A_29 = arith.addi %mul3A_2, %mul3A_28 : i32
      %add3A_30 = vector.broadcast %add3A_29 : i32 to vector<16xi32>
      %add3A_31 = arith.addi %add3A_30, %iota3A : vector<16xi32>
      %ge3A = arith.constant 53248 : i32
      %ge3A_32 = vector.broadcast %ge3A : i32 to vector<16xi32>
      %ge3A_33 = arith.cmpi sge, %add3A_31, %ge3A_32 : vector<16xi32>
      %jit3A = arith.constant 8 : i32
      %jit3A_34 = arith.constant 0 : i32
      %broadcast_in_dim3A = vector.broadcast %jit3A : i32 to vector<16xi32>
      %broadcast_in_dim3A_35 = vector.broadcast %jit3A_34 : i32 to vector<16xi32>
      %select_n3A = arith.select %ge3A_33, %broadcast_in_dim3A, %broadcast_in_dim3A_35 : vector<16xi1>, vector<16xi32>
      %shift_right_arithmetic3A = arith.constant 7 : i32
      %shift_right_arithmetic3A_36 = vector.broadcast %shift_right_arithmetic3A : i32 to vector<16xi32>
      %shift_right_arithmetic3A_37 = arith.shrsi %add3A_31, %shift_right_arithmetic3A_36 : vector<16xi32>
      %and3A = arith.constant 7 : i32
      %and3A_38 = vector.broadcast %and3A : i32 to vector<16xi32>
      %and3A_39 = arith.andi %shift_right_arithmetic3A_37, %and3A_38 : vector<16xi32>
      %add3A_40 = arith.addi %select_n3A, %and3A_39 : vector<16xi32>
      %mul3A_41 = arith.constant 16 : i32
      %mul3A_42 = arith.muli %scan3A_26, %mul3A_41 : i32
      %get3A = arith.index_cast %mul3A_42 : i32 to index
      %get3A_43 = tpu.vector_load %arg7[%get3A] {strides = array<i32>} : memref<3328xi32, #tpu.memory_space<vmem>>, vector<16xi32>,
      %get3A_44 = vector.shape_cast %get3A_43 : vector<16xi32> to vector<16xi32>
      %mul3A_45 = arith.constant 524288 : i32
      %mul3A_46 = vector.broadcast %mul3A_45 : i32 to vector<16xi32>
      %mul3A_47 = arith.muli %add3A_40, %mul3A_46 : vector<16xi32>
      %add3A_48 = arith.addi %get3A_44, %mul3A_47 : vector<16xi32>
      %mul3A_49 = arith.constant 16 : i32
      %mul3A_50 = arith.muli %scan3A_26, %mul3A_49 : i32
      %swap3A = arith.index_cast %mul3A_50 : i32 to index
      %swap3A_51 = tpu.vector_load %arg8[%swap3A] {strides = array<i32>} : memref<3328xi32, #tpu.memory_space<vmem>>, vector<16xi32>,
      %swap3A_52 = vector.shape_cast %swap3A_51 : vector<16xi32> to vector<16xi32>
      %swap3A_53 = vector.shape_cast %add3A_48 : vector<16xi32> to vector<16xi32>
      tpu.vector_store %arg8[%swap3A], %swap3A_53 {strides = array<i32>} : memref<3328xi32, #tpu.memory_space<vmem>>, vector<16xi32>,
      %add3A_54 = arith.constant 262144 : i32
      %add3A_55 = vector.broadcast %add3A_54 : i32 to vector<16xi32>
      %add3A_56 = arith.addi %add3A_48, %add3A_55 : vector<16xi32>
      %mul3A_57 = arith.constant 16 : i32
      %mul3A_58 = arith.muli %scan3A_26, %mul3A_57 : i32
      %swap3A_59 = arith.index_cast %mul3A_58 : i32 to index
      %swap3A_60 = tpu.vector_load %arg9[%swap3A_59] {strides = array<i32>} : memref<3328xi32, #tpu.memory_space<vmem>>, vector<16xi32>,
      %swap3A_61 = vector.shape_cast %swap3A_60 : vector<16xi32> to vector<16xi32>
      %swap3A_62 = vector.shape_cast %add3A_56 : vector<16xi32> to vector<16xi32>
      tpu.vector_store %arg9[%swap3A_59], %swap3A_62 {strides = array<i32>} : memref<3328xi32, #tpu.memory_space<vmem>>, vector<16xi32>,
      %add3A_63 = arith.constant 524288 : i32
      %add3A_64 = vector.broadcast %add3A_63 : i32 to vector<16xi32>
      %add3A_65 = arith.addi %add3A_48, %add3A_64 : vector<16xi32>
      %mul3A_66 = arith.constant 16 : i32
      %mul3A_67 = arith.muli %scan3A_26, %mul3A_66 : i32
      %swap3A_68 = arith.index_cast %mul3A_67 : i32 to index
      %swap3A_69 = tpu.vector_load %arg10[%swap3A_68] {strides = array<i32>} : memref<3328xi32, #tpu.memory_space<vmem>>, vector<16xi32>,
      %swap3A_70 = vector.shape_cast %swap3A_69 : vector<16xi32> to vector<16xi32>
      %swap3A_71 = vector.shape_cast %add3A_65 : vector<16xi32> to vector<16xi32>
      tpu.vector_store %arg10[%swap3A_68], %swap3A_71 {strides = array<i32>} : memref<3328xi32, #tpu.memory_space<vmem>>, vector<16xi32>,
      %scan3A_72 = arith.constant 1 : i32
      %scan3A_73 = arith.addi %scan3A_26, %scan3A_72 : i32
      %mul3A_74 = arith.constant 16 : i32
      %mul3A_75 = arith.muli %scan3A_73, %mul3A_74 : i32
      %add3A_76 = arith.addi %mul3A_2, %mul3A_75 : i32
      %add3A_77 = vector.broadcast %add3A_76 : i32 to vector<16xi32>
      %add3A_78 = arith.addi %add3A_77, %iota3A : vector<16xi32>
      %ge3A_79 = arith.constant 53248 : i32
      %ge3A_80 = vector.broadcast %ge3A_79 : i32 to vector<16xi32>
      %ge3A_81 = arith.cmpi sge, %add3A_78, %ge3A_80 : vector<16xi32>
      %jit3A_82 = arith.constant 8 : i32
      %jit3A_83 = arith.constant 0 : i32
      %broadcast_in_dim3A_84 = vector.broadcast %jit3A_82 : i32 to vector<16xi32>
      %broadcast_in_dim3A_85 = vector.broadcast %jit3A_83 : i32 to vector<16xi32>
      %select_n3A_86 = arith.select %ge3A_81, %broadcast_in_dim3A_84, %broadcast_in_dim3A_85 : vector<16xi1>, vector<16xi32>
      %shift_right_arithmetic3A_87 = arith.constant 7 : i32
      %shift_right_arithmetic3A_88 = vector.broadcast %shift_right_arithmetic3A_87 : i32 to vector<16xi32>
      %shift_right_arithmetic3A_89 = arith.shrsi %add3A_78, %shift_right_arithmetic3A_88 : vector<16xi32>
      %and3A_90 = arith.constant 7 : i32
      %and3A_91 = vector.broadcast %and3A_90 : i32 to vector<16xi32>
      %and3A_92 = arith.andi %shift_right_arithmetic3A_89, %and3A_91 : vector<16xi32>
      %add3A_93 = arith.addi %select_n3A_86, %and3A_92 : vector<16xi32>
      %mul3A_94 = arith.constant 16 : i32
      %mul3A_95 = arith.muli %scan3A_73, %mul3A_94 : i32
      %get3A_96 = arith.index_cast %mul3A_95 : i32 to index
      %get3A_97 = tpu.vector_load %arg7[%get3A_96] {strides = array<i32>} : memref<3328xi32, #tpu.memory_space<vmem>>, vector<16xi32>,
      %get3A_98 = vector.shape_cast %get3A_97 : vector<16xi32> to vector<16xi32>
      %mul3A_99 = arith.constant 524288 : i32
      %mul3A_100 = vector.broadcast %mul3A_99 : i32 to vector<16xi32>
      %mul3A_101 = arith.muli %add3A_93, %mul3A_100 : vector<16xi32>
      %add3A_102 = arith.addi %get3A_98, %mul3A_101 : vector<16xi32>
      %mul3A_103 = arith.constant 16 : i32
      %mul3A_104 = arith.muli %scan3A_73, %mul3A_103 : i32
      %swap3A_105 = arith.index_cast %mul3A_104 : i32 to index
      %swap3A_106 = tpu.vector_load %arg8[%swap3A_105] {strides = array<i32>} : memref<3328xi32, #tpu.memory_space<vmem>>, vector<16xi32>,
      %swap3A_107 = vector.shape_cast %swap3A_106 : vector<16xi32> to vector<16xi32>
      %swap3A_108 = vector.shape_cast %add3A_102 : vector<16xi32> to vector<16xi32>
      tpu.vector_store %arg8[%swap3A_105], %swap3A_108 {strides = array<i32>} : memref<3328xi32, #tpu.memory_space<vmem>>, vector<16xi32>,
      %add3A_109 = arith.constant 262144 : i32
      %add3A_110 = vector.broadcast %add3A_109 : i32 to vector<16xi32>
      %add3A_111 = arith.addi %add3A_102, %add3A_110 : vector<16xi32>
      %mul3A_112 = arith.constant 16 : i32
      %mul3A_113 = arith.muli %scan3A_73, %mul3A_112 : i32
      %swap3A_114 = arith.index_cast %mul3A_113 : i32 to index
      %swap3A_115 = tpu.vector_load %arg9[%swap3A_114] {strides = array<i32>} : memref<3328xi32, #tpu.memory_space<vmem>>, vector<16xi32>,
      %swap3A_116 = vector.shape_cast %swap3A_115 : vector<16xi32> to vector<16xi32>
      %swap3A_117 = vector.shape_cast %add3A_111 : vector<16xi32> to vector<16xi32>
      tpu.vector_store %arg9[%swap3A_114], %swap3A_117 {strides = array<i32>} : memref<3328xi32, #tpu.memory_space<vmem>>, vector<16xi32>,
      %add3A_118 = arith.constant 524288 : i32
      %add3A_119 = vector.broadcast %add3A_118 : i32 to vector<16xi32>
      %add3A_120 = arith.addi %add3A_102, %add3A_119 : vector<16xi32>
      %mul3A_121 = arith.constant 16 : i32
      %mul3A_122 = arith.muli %scan3A_73, %mul3A_121 : i32
      %swap3A_123 = arith.index_cast %mul3A_122 : i32 to index
      %swap3A_124 = tpu.vector_load %arg10[%swap3A_123] {strides = array<i32>} : memref<3328xi32, #tpu.memory_space<vmem>>, vector<16xi32>,
      %swap3A_125 = vector.shape_cast %swap3A_124 : vector<16xi32> to vector<16xi32>
      %swap3A_126 = vector.shape_cast %add3A_120 : vector<16xi32> to vector<16xi32>
      tpu.vector_store %arg10[%swap3A_123], %swap3A_126 {strides = array<i32>} : memref<3328xi32, #tpu.memory_space<vmem>>, vector<16xi32>,
      %scan3A_127 = arith.constant 2 : i32
      %scan3A_128 = arith.addi %scan3A_26, %scan3A_127 : i32
      %mul3A_129 = arith.constant 16 : i32
      %mul3A_130 = arith.muli %scan3A_128, %mul3A_129 : i32
      %add3A_131 = arith.addi %mul3A_2, %mul3A_130 : i32
      %add3A_132 = vector.broadcast %add3A_131 : i32 to vector<16xi32>
      %add3A_133 = arith.addi %add3A_132, %iota3A : vector<16xi32>
      %ge3A_134 = arith.constant 53248 : i32
      %ge3A_135 = vector.broadcast %ge3A_134 : i32 to vector<16xi32>
      %ge3A_136 = arith.cmpi sge, %add3A_133, %ge3A_135 : vector<16xi32>
      %jit3A_137 = arith.constant 8 : i32
      %jit3A_138 = arith.constant 0 : i32
      %broadcast_in_dim3A_139 = vector.broadcast %jit3A_137 : i32 to vector<16xi32>
      %broadcast_in_dim3A_140 = vector.broadcast %jit3A_138 : i32 to vector<16xi32>
      %select_n3A_141 = arith.select %ge3A_136, %broadcast_in_dim3A_139, %broadcast_in_dim3A_140 : vector<16xi1>, vector<16xi32>
      %shift_right_arithmetic3A_142 = arith.constant 7 : i32
      %shift_right_arithmetic3A_143 = vector.broadcast %shift_right_arithmetic3A_142 : i32 to vector<16xi32>
      %shift_right_arithmetic3A_144 = arith.shrsi %add3A_133, %shift_right_arithmetic3A_143 : vector<16xi32>
      %and3A_145 = arith.constant 7 : i32
      %and3A_146 = vector.broadcast %and3A_145 : i32 to vector<16xi32>
      %and3A_147 = arith.andi %shift_right_arithmetic3A_144, %and3A_146 : vector<16xi32>
      %add3A_148 = arith.addi %select_n3A_141, %and3A_147 : vector<16xi32>
      %mul3A_149 = arith.constant 16 : i32
      %mul3A_150 = arith.muli %scan3A_128, %mul3A_149 : i32
      %get3A_151 = arith.index_cast %mul3A_150 : i32 to index
      %get3A_152 = tpu.vector_load %arg7[%get3A_151] {strides = array<i32>} : memref<3328xi32, #tpu.memory_space<vmem>>, vector<16xi32>,
      %get3A_153 = vector.shape_cast %get3A_152 : vector<16xi32> to vector<16xi32>
      %mul3A_154 = arith.constant 524288 : i32
      %mul3A_155 = vector.broadcast %mul3A_154 : i32 to vector<16xi32>
      %mul3A_156 = arith.muli %add3A_148, %mul3A_155 : vector<16xi32>
      %add3A_157 = arith.addi %get3A_153, %mul3A_156 : vector<16xi32>
      %mul3A_158 = arith.constant 16 : i32
      %mul3A_159 = arith.muli %scan3A_128, %mul3A_158 : i32
      %swap3A_160 = arith.index_cast %mul3A_159 : i32 to index
      %swap3A_161 = tpu.vector_load %arg8[%swap3A_160] {strides = array<i32>} : memref<3328xi32, #tpu.memory_space<vmem>>, vector<16xi32>,
      %swap3A_162 = vector.shape_cast %swap3A_161 : vector<16xi32> to vector<16xi32>
      %swap3A_163 = vector.shape_cast %add3A_157 : vector<16xi32> to vector<16xi32>
      tpu.vector_store %arg8[%swap3A_160], %swap3A_163 {strides = array<i32>} : memref<3328xi32, #tpu.memory_space<vmem>>, vector<16xi32>,
      %add3A_164 = arith.constant 262144 : i32
      %add3A_165 = vector.broadcast %add3A_164 : i32 to vector<16xi32>
      %add3A_166 = arith.addi %add3A_157, %add3A_165 : vector<16xi32>
      %mul3A_167 = arith.constant 16 : i32
      %mul3A_168 = arith.muli %scan3A_128, %mul3A_167 : i32
      %swap3A_169 = arith.index_cast %mul3A_168 : i32 to index
      %swap3A_170 = tpu.vector_load %arg9[%swap3A_169] {strides = array<i32>} : memref<3328xi32, #tpu.memory_space<vmem>>, vector<16xi32>,
      %swap3A_171 = vector.shape_cast %swap3A_170 : vector<16xi32> to vector<16xi32>
      %swap3A_172 = vector.shape_cast %add3A_166 : vector<16xi32> to vector<16xi32>
      tpu.vector_store %arg9[%swap3A_169], %swap3A_172 {strides = array<i32>} : memref<3328xi32, #tpu.memory_space<vmem>>, vector<16xi32>,
      %add3A_173 = arith.constant 524288 : i32
      %add3A_174 = vector.broadcast %add3A_173 : i32 to vector<16xi32>
      %add3A_175 = arith.addi %add3A_157, %add3A_174 : vector<16xi32>
      %mul3A_176 = arith.constant 16 : i32
      %mul3A_177 = arith.muli %scan3A_128, %mul3A_176 : i32
      %swap3A_178 = arith.index_cast %mul3A_177 : i32 to index
      %swap3A_179 = tpu.vector_load %arg10[%swap3A_178] {strides = array<i32>} : memref<3328xi32, #tpu.memory_space<vmem>>, vector<16xi32>,
      %swap3A_180 = vector.shape_cast %swap3A_179 : vector<16xi32> to vector<16xi32>
      %swap3A_181 = vector.shape_cast %add3A_175 : vector<16xi32> to vector<16xi32>
      tpu.vector_store %arg10[%swap3A_178], %swap3A_181 {strides = array<i32>} : memref<3328xi32, #tpu.memory_space<vmem>>, vector<16xi32>,
      %scan3A_182 = arith.constant 3 : i32
      %scan3A_183 = arith.addi %scan3A_26, %scan3A_182 : i32
      %mul3A_184 = arith.constant 16 : i32
      %mul3A_185 = arith.muli %scan3A_183, %mul3A_184 : i32
      %add3A_186 = arith.addi %mul3A_2, %mul3A_185 : i32
      %add3A_187 = vector.broadcast %add3A_186 : i32 to vector<16xi32>
      %add3A_188 = arith.addi %add3A_187, %iota3A : vector<16xi32>
      %ge3A_189 = arith.constant 53248 : i32
      %ge3A_190 = vector.broadcast %ge3A_189 : i32 to vector<16xi32>
      %ge3A_191 = arith.cmpi sge, %add3A_188, %ge3A_190 : vector<16xi32>
      %jit3A_192 = arith.constant 8 : i32
      %jit3A_193 = arith.constant 0 : i32
      %broadcast_in_dim3A_194 = vector.broadcast %jit3A_192 : i32 to vector<16xi32>
      %broadcast_in_dim3A_195 = vector.broadcast %jit3A_193 : i32 to vector<16xi32>
      %select_n3A_196 = arith.select %ge3A_191, %broadcast_in_dim3A_194, %broadcast_in_dim3A_195 : vector<16xi1>, vector<16xi32>
      %shift_right_arithmetic3A_197 = arith.constant 7 : i32
      %shift_right_arithmetic3A_198 = vector.broadcast %shift_right_arithmetic3A_197 : i32 to vector<16xi32>
      %shift_right_arithmetic3A_199 = arith.shrsi %add3A_188, %shift_right_arithmetic3A_198 : vector<16xi32>
      %and3A_200 = arith.constant 7 : i32
      %and3A_201 = vector.broadcast %and3A_200 : i32 to vector<16xi32>
      %and3A_202 = arith.andi %shift_right_arithmetic3A_199, %and3A_201 : vector<16xi32>
      %add3A_203 = arith.addi %select_n3A_196, %and3A_202 : vector<16xi32>
      %mul3A_204 = arith.constant 16 : i32
      %mul3A_205 = arith.muli %scan3A_183, %mul3A_204 : i32
      %get3A_206 = arith.index_cast %mul3A_205 : i32 to index
      %get3A_207 = tpu.vector_load %arg7[%get3A_206] {strides = array<i32>} : memref<3328xi32, #tpu.memory_space<vmem>>, vector<16xi32>,
      %get3A_208 = vector.shape_cast %get3A_207 : vector<16xi32> to vector<16xi32>
      %mul3A_209 = arith.constant 524288 : i32
      %mul3A_210 = vector.broadcast %mul3A_209 : i32 to vector<16xi32>
      %mul3A_211 = arith.muli %add3A_203, %mul3A_210 : vector<16xi32>
      %add3A_212 = arith.addi %get3A_208, %mul3A_211 : vector<16xi32>
      %mul3A_213 = arith.constant 16 : i32
      %mul3A_214 = arith.muli %scan3A_183, %mul3A_213 : i32
      %swap3A_215 = arith.index_cast %mul3A_214 : i32 to index
      %swap3A_216 = tpu.vector_load %arg8[%swap3A_215] {strides = array<i32>} : memref<3328xi32, #tpu.memory_space<vmem>>, vector<16xi32>,
      %swap3A_217 = vector.shape_cast %swap3A_216 : vector<16xi32> to vector<16xi32>
      %swap3A_218 = vector.shape_cast %add3A_212 : vector<16xi32> to vector<16xi32>
      tpu.vector_store %arg8[%swap3A_215], %swap3A_218 {strides = array<i32>} : memref<3328xi32, #tpu.memory_space<vmem>>, vector<16xi32>,
      %add3A_219 = arith.constant 262144 : i32
      %add3A_220 = vector.broadcast %add3A_219 : i32 to vector<16xi32>
      %add3A_221 = arith.addi %add3A_212, %add3A_220 : vector<16xi32>
      %mul3A_222 = arith.constant 16 : i32
      %mul3A_223 = arith.muli %scan3A_183, %mul3A_222 : i32
      %swap3A_224 = arith.index_cast %mul3A_223 : i32 to index
      %swap3A_225 = tpu.vector_load %arg9[%swap3A_224] {strides = array<i32>} : memref<3328xi32, #tpu.memory_space<vmem>>, vector<16xi32>,
      %swap3A_226 = vector.shape_cast %swap3A_225 : vector<16xi32> to vector<16xi32>
      %swap3A_227 = vector.shape_cast %add3A_221 : vector<16xi32> to vector<16xi32>
      tpu.vector_store %arg9[%swap3A_224], %swap3A_227 {strides = array<i32>} : memref<3328xi32, #tpu.memory_space<vmem>>, vector<16xi32>,
      %add3A_228 = arith.constant 524288 : i32
      %add3A_229 = vector.broadcast %add3A_228 : i32 to vector<16xi32>
      %add3A_230 = arith.addi %add3A_212, %add3A_229 : vector<16xi32>
      %mul3A_231 = arith.constant 16 : i32
      %mul3A_232 = arith.muli %scan3A_183, %mul3A_231 : i32
      %swap3A_233 = arith.index_cast %mul3A_232 : i32 to index
      %swap3A_234 = tpu.vector_load %arg10[%swap3A_233] {strides = array<i32>} : memref<3328xi32, #tpu.memory_space<vmem>>, vector<16xi32>,
      %swap3A_235 = vector.shape_cast %swap3A_234 : vector<16xi32> to vector<16xi32>
      %swap3A_236 = vector.shape_cast %add3A_230 : vector<16xi32> to vector<16xi32>
      tpu.vector_store %arg10[%swap3A_233], %swap3A_236 {strides = array<i32>} : memref<3328xi32, #tpu.memory_space<vmem>>, vector<16xi32>,
    }
    %scan3A_7 = arith.constant 208 : i32
    %dma_start3A = arith.constant 0 : i32
    %dma_start3A_8 = tpu.memref_slice %arg2[%dma_start3A] : memref<12582912xf32, #tpu.memory_space<hbm>> -> memref<12582912xf32, #tpu.memory_space<hbm>>
    tpu.enqueue_indirect_dma source(%dma_start3A_8 : memref<12582912xf32, #tpu.memory_space<hbm>>) target(%arg11 : memref<3328xf32, #tpu.memory_space<vmem>>) offsets(%arg8 : memref<3328xi32, #tpu.memory_space<vmem>>) semaphore(%arg15 : memref<!tpu.dma_semaphore, #tpu.memory_space<semaphore_mem>>)
    %dma_start3A_9 = arith.constant 0 : i32
    %dma_start3A_10 = tpu.memref_slice %arg2[%dma_start3A_9] : memref<12582912xf32, #tpu.memory_space<hbm>> -> memref<12582912xf32, #tpu.memory_space<hbm>>
    tpu.enqueue_indirect_dma source(%dma_start3A_10 : memref<12582912xf32, #tpu.memory_space<hbm>>) target(%arg12 : memref<3328xf32, #tpu.memory_space<vmem>>) offsets(%arg9 : memref<3328xi32, #tpu.memory_space<vmem>>) semaphore(%arg16 : memref<!tpu.dma_semaphore, #tpu.memory_space<semaphore_mem>>)
    %dma_start3A_11 = arith.constant 0 : i32
    %dma_start3A_12 = tpu.memref_slice %arg2[%dma_start3A_11] : memref<12582912xf32, #tpu.memory_space<hbm>> -> memref<12582912xf32, #tpu.memory_space<hbm>>
    tpu.enqueue_indirect_dma source(%dma_start3A_12 : memref<12582912xf32, #tpu.memory_space<hbm>>) target(%arg13 : memref<3328xf32, #tpu.memory_space<vmem>>) offsets(%arg10 : memref<3328xi32, #tpu.memory_space<vmem>>) semaphore(%arg17 : memref<!tpu.dma_semaphore, #tpu.memory_space<semaphore_mem>>)
    %dma_start3A_13 = arith.constant 0 : i32
    %dma_start3A_14 = tpu.memref_slice %arg4[%dma_start3A_13] : memref<4194304xf32, #tpu.memory_space<hbm>> -> memref<4194304xf32, #tpu.memory_space<hbm>>
    tpu.enqueue_indirect_dma source(%dma_start3A_14 : memref<4194304xf32, #tpu.memory_space<hbm>>) target(%arg14 : memref<3328xf32, #tpu.memory_space<vmem>>) offsets(%arg7 : memref<3328xi32, #tpu.memory_space<vmem>>) semaphore(%arg18 : memref<!tpu.dma_semaphore, #tpu.memory_space<semaphore_mem>>)
    %dma_wait3A = arith.constant 0 : i32
    %dma_wait3A_15 = tpu.memref_slice %arg2[%dma_wait3A] : memref<12582912xf32, #tpu.memory_space<hbm>> -> memref<12582912xf32, #tpu.memory_space<hbm>>
    tpu.wait_indirect_dma semaphore(%arg15 : memref<!tpu.dma_semaphore, #tpu.memory_space<semaphore_mem>>) src(%dma_wait3A_15 : memref<12582912xf32, #tpu.memory_space<hbm>>) dst(%arg11 : memref<3328xf32, #tpu.memory_space<vmem>>)
    %dma_wait3A_16 = arith.constant 0 : i32
    %dma_wait3A_17 = tpu.memref_slice %arg2[%dma_wait3A_16] : memref<12582912xf32, #tpu.memory_space<hbm>> -> memref<12582912xf32, #tpu.memory_space<hbm>>
    tpu.wait_indirect_dma semaphore(%arg16 : memref<!tpu.dma_semaphore, #tpu.memory_space<semaphore_mem>>) src(%dma_wait3A_17 : memref<12582912xf32, #tpu.memory_space<hbm>>) dst(%arg12 : memref<3328xf32, #tpu.memory_space<vmem>>)
    %dma_wait3A_18 = arith.constant 0 : i32
    %dma_wait3A_19 = tpu.memref_slice %arg2[%dma_wait3A_18] : memref<12582912xf32, #tpu.memory_space<hbm>> -> memref<12582912xf32, #tpu.memory_space<hbm>>
    tpu.wait_indirect_dma semaphore(%arg17 : memref<!tpu.dma_semaphore, #tpu.memory_space<semaphore_mem>>) src(%dma_wait3A_19 : memref<12582912xf32, #tpu.memory_space<hbm>>) dst(%arg13 : memref<3328xf32, #tpu.memory_space<vmem>>)
    %dma_wait3A_20 = arith.constant 0 : i32
    %dma_wait3A_21 = tpu.memref_slice %arg4[%dma_wait3A_20] : memref<4194304xf32, #tpu.memory_space<hbm>> -> memref<4194304xf32, #tpu.memory_space<hbm>>
    tpu.wait_indirect_dma semaphore(%arg18 : memref<!tpu.dma_semaphore, #tpu.memory_space<semaphore_mem>>) src(%dma_wait3A_21 : memref<4194304xf32, #tpu.memory_space<hbm>>) dst(%arg14 : memref<3328xf32, #tpu.memory_space<vmem>>)
    "tpu.region"() ({
      %run_scoped3A = tpu.sem_alloc : memref<!tpu.dma_semaphore, #tpu.memory_space<semaphore_mem>>
      %dma_start3A_26 = tpu.memref_slice %arg5[%mul3A_2] : memref<319488xf32, #tpu.memory_space<hbm>> -> memref<3328xf32, #tpu.memory_space<hbm>>
      %dma_start3A_27 = tpu.memref_slice %arg5[%mul3A_2] : memref<319488xf32, #tpu.memory_space<hbm>> -> memref<3328xf32, #tpu.memory_space<hbm>>
      tpu.enqueue_dma source(%arg11 : memref<3328xf32, #tpu.memory_space<vmem>>) target(%dma_start3A_27 : memref<3328xf32, #tpu.memory_space<hbm>>) target_semaphore(%run_scoped3A : memref<!tpu.dma_semaphore, #tpu.memory_space<semaphore_mem>>)
      %dma_wait3A_28 = tpu.memref_slice %arg5[%mul3A_2] : memref<319488xf32, #tpu.memory_space<hbm>> -> memref<3328xf32, #tpu.memory_space<hbm>>
      %dma_wait3A_29 = tpu.memref_slice %arg5[%mul3A_2] : memref<319488xf32, #tpu.memory_space<hbm>> -> memref<3328xf32, #tpu.memory_space<hbm>>
      tpu.wait_dma2 semaphore(%run_scoped3A : memref<!tpu.dma_semaphore, #tpu.memory_space<semaphore_mem>>) src(%arg11 : memref<3328xf32, #tpu.memory_space<vmem>>) dst(%dma_wait3A_29 : memref<3328xf32, #tpu.memory_space<hbm>>)
      tpu.yield
    }) : () -> ()
    %add3A_22 = arith.constant 106496 : i32
    %add3A_23 = arith.addi %add3A_22, %mul3A_2 : i32
    "tpu.region"() ({
      %run_scoped3A = tpu.sem_alloc : memref<!tpu.dma_semaphore, #tpu.memory_space<semaphore_mem>>
      %dma_start3A_26 = tpu.memref_slice %arg5[%add3A_23] : memref<319488xf32, #tpu.memory_space<hbm>> -> memref<3328xf32, #tpu.memory_space<hbm>>
      %dma_start3A_27 = tpu.memref_slice %arg5[%add3A_23] : memref<319488xf32, #tpu.memory_space<hbm>> -> memref<3328xf32, #tpu.memory_space<hbm>>
      tpu.enqueue_dma source(%arg12 : memref<3328xf32, #tpu.memory_space<vmem>>) target(%dma_start3A_27 : memref<3328xf32, #tpu.memory_space<hbm>>) target_semaphore(%run_scoped3A : memref<!tpu.dma_semaphore, #tpu.memory_space<semaphore_mem>>)
      %dma_wait3A_28 = tpu.memref_slice %arg5[%add3A_23] : memref<319488xf32, #tpu.memory_space<hbm>> -> memref<3328xf32, #tpu.memory_space<hbm>>
      %dma_wait3A_29 = tpu.memref_slice %arg5[%add3A_23] : memref<319488xf32, #tpu.memory_space<hbm>> -> memref<3328xf32, #tpu.memory_space<hbm>>
      tpu.wait_dma2 semaphore(%run_scoped3A : memref<!tpu.dma_semaphore, #tpu.memory_space<semaphore_mem>>) src(%arg12 : memref<3328xf32, #tpu.memory_space<vmem>>) dst(%dma_wait3A_29 : memref<3328xf32, #tpu.memory_space<hbm>>)
      tpu.yield
    }) : () -> ()
    %add3A_24 = arith.constant 212992 : i32
    %add3A_25 = arith.addi %add3A_24, %mul3A_2 : i32
    "tpu.region"() ({
      %run_scoped3A = tpu.sem_alloc : memref<!tpu.dma_semaphore, #tpu.memory_space<semaphore_mem>>
      %dma_start3A_26 = tpu.memref_slice %arg5[%add3A_25] : memref<319488xf32, #tpu.memory_space<hbm>> -> memref<3328xf32, #tpu.memory_space<hbm>>
      %dma_start3A_27 = tpu.memref_slice %arg5[%add3A_25] : memref<319488xf32, #tpu.memory_space<hbm>> -> memref<3328xf32, #tpu.memory_space<hbm>>
      tpu.enqueue_dma source(%arg13 : memref<3328xf32, #tpu.memory_space<vmem>>) target(%dma_start3A_27 : memref<3328xf32, #tpu.memory_space<hbm>>) target_semaphore(%run_scoped3A : memref<!tpu.dma_semaphore, #tpu.memory_space<semaphore_mem>>)
      %dma_wait3A_28 = tpu.memref_slice %arg5[%add3A_25] : memref<319488xf32, #tpu.memory_space<hbm>> -> memref<3328xf32, #tpu.memory_space<hbm>>
      %dma_wait3A_29 = tpu.memref_slice %arg5[%add3A_25] : memref<319488xf32, #tpu.memory_space<hbm>> -> memref<3328xf32, #tpu.memory_space<hbm>>
      tpu.wait_dma2 semaphore(%run_scoped3A : memref<!tpu.dma_semaphore, #tpu.memory_space<semaphore_mem>>) src(%arg13 : memref<3328xf32, #tpu.memory_space<vmem>>) dst(%dma_wait3A_29 : memref<3328xf32, #tpu.memory_space<hbm>>)
      tpu.yield
    }) : () -> ()
    "tpu.region"() ({
      %run_scoped3A = tpu.sem_alloc : memref<!tpu.dma_semaphore, #tpu.memory_space<semaphore_mem>>
      %dma_start3A_26 = tpu.memref_slice %arg6[%mul3A_2] : memref<106496xf32, #tpu.memory_space<hbm>> -> memref<3328xf32, #tpu.memory_space<hbm>>
      %dma_start3A_27 = tpu.memref_slice %arg6[%mul3A_2] : memref<106496xf32, #tpu.memory_space<hbm>> -> memref<3328xf32, #tpu.memory_space<hbm>>
      tpu.enqueue_dma source(%arg14 : memref<3328xf32, #tpu.memory_space<vmem>>) target(%dma_start3A_27 : memref<3328xf32, #tpu.memory_space<hbm>>) target_semaphore(%run_scoped3A : memref<!tpu.dma_semaphore, #tpu.memory_space<semaphore_mem>>)
      %dma_wait3A_28 = tpu.memref_slice %arg6[%mul3A_2] : memref<106496xf32, #tpu.memory_space<hbm>> -> memref<3328xf32, #tpu.memory_space<hbm>>
      %dma_wait3A_29 = tpu.memref_slice %arg6[%mul3A_2] : memref<106496xf32, #tpu.memory_space<hbm>> -> memref<3328xf32, #tpu.memory_space<hbm>>
      tpu.wait_dma2 semaphore(%run_scoped3A : memref<!tpu.dma_semaphore, #tpu.memory_space<semaphore_mem>>) src(%arg14 : memref<3328xf32, #tpu.memory_space<vmem>>) dst(%dma_wait3A_29 : memref<3328xf32, #tpu.memory_space<hbm>>)
      tpu.yield
    }) : () -> ()
    return
  }
}

module attributes {stable_mosaic.version = 14 : i64} {
  func.func @_iou_body(%arg0: i32, %arg1: memref<3145728xf32, #tpu.memory_space<vmem>>, %arg2: memref<1048576xf32, #tpu.memory_space<vmem>>, %arg3: memref<3x16xf32, #tpu.memory_space<vmem>>, %arg4: memref<3x16xf32, #tpu.memory_space<vmem>>) attributes {dimension_semantics = [#tpu.dimension_semantics<arbitrary>], iteration_bounds = array<i64: 4>, scalar_prefetch = 0 : i64, scratch_operands = 0 : i64, tpu.core_type = #tpu.core_type<tc>, window_params = [{transform_indices = @transform_0, window_bounds = array<i64: 3145728>}, {transform_indices = @transform_1, window_bounds = array<i64: 1048576>}, {pipeline_mode = #tpu.pipeline_mode<synchronous>, transform_indices = @transform_2, window_bounds = array<i64: 3, 16>}, {pipeline_mode = #tpu.pipeline_mode<synchronous>, transform_indices = @transform_3, window_bounds = array<i64: 3, 16>}]} {
    %eq3A = arith.constant 0 : i32
    %eq3A_0 = arith.cmpi eq, %arg0, %eq3A : i32
    %convert_element_type3A = arith.extui %eq3A_0 : i1 to i32
    %cond3A = arith.constant 0 : i32
    %cond3A_1 = arith.cmpi ne, %convert_element_type3A, %cond3A : i32
    scf.if %cond3A_1 {
      %broadcast_in_dim3A_357 = arith.constant 0.000000e+00 : f32
      %broadcast_in_dim3A_358 = vector.broadcast %broadcast_in_dim3A_357 : f32 to vector<3x16xf32>
      %swap3A_359 = arith.constant 0 : index
      %swap3A_360 = arith.constant 0 : index
      %swap3A_361 = vector.load %arg3[%swap3A_359, %swap3A_360] : memref<3x16xf32, #tpu.memory_space<vmem>>, vector<3x16xf32>
      tpu.vector_store %arg3[%swap3A_359, %swap3A_360], %broadcast_in_dim3A_358 {strides = array<i32>} : memref<3x16xf32, #tpu.memory_space<vmem>>, vector<3x16xf32>,
      %broadcast_in_dim3A_362 = arith.constant 0.000000e+00 : f32
      %broadcast_in_dim3A_363 = vector.broadcast %broadcast_in_dim3A_362 : f32 to vector<3x16xf32>
      %swap3A_364 = arith.constant 0 : index
      %swap3A_365 = arith.constant 0 : index
      %swap3A_366 = vector.load %arg4[%swap3A_364, %swap3A_365] : memref<3x16xf32, #tpu.memory_space<vmem>>, vector<3x16xf32>
      tpu.vector_store %arg4[%swap3A_364, %swap3A_365], %broadcast_in_dim3A_363 {strides = array<i32>} : memref<3x16xf32, #tpu.memory_space<vmem>>, vector<3x16xf32>,
    } else {
    }
    %get3A = arith.constant 0 : index
    %get3A_2 = vector.load %arg1[%get3A] : memref<3145728xf32, #tpu.memory_space<vmem>>, vector<3145728xf32>
    %reshape3A = vector.shape_cast %get3A_2 : vector<3145728xf32> to vector<24576x128xf32>
    %gt3A = arith.constant 0.000000e+00 : f32
    %gt3A_3 = vector.broadcast %gt3A : f32 to vector<24576x128xf32>
    %gt3A_4 = arith.cmpf ogt, %reshape3A, %gt3A_3 : vector<24576x128xf32>
    %get3A_5 = arith.constant 0 : index
    %get3A_6 = vector.load %arg2[%get3A_5] : memref<1048576xf32, #tpu.memory_space<vmem>>, vector<1048576xf32>
    %reshape3A_7 = vector.shape_cast %get3A_6 : vector<1048576xf32> to vector<8192x128xf32>
    %gt3A_8 = arith.constant 0.000000e+00 : f32
    %gt3A_9 = vector.broadcast %gt3A_8 : f32 to vector<8192x128xf32>
    %gt3A_10 = arith.cmpf ogt, %reshape3A_7, %gt3A_9 : vector<8192x128xf32>
    %slice3A = vector.extract_strided_slice %gt3A_10 {offsets = [0, 0], sizes = [2048, 128], strides = [1, 1]} : vector<8192x128xi1> to vector<2048x128xi1>
    %slice3A_11 = vector.extract_strided_slice %gt3A_4 {offsets = [0, 0], sizes = [2048, 128], strides = [1, 1]} : vector<24576x128xi1> to vector<2048x128xi1>
    %and3A = arith.andi %slice3A_11, %slice3A : vector<2048x128xi1>
    %convert_element_type3A_12 = arith.extui %and3A : vector<2048x128xi1> to vector<2048x128xi32>
    %convert_element_type3A_13 = arith.sitofp %convert_element_type3A_12 : vector<2048x128xi32> to vector<2048x128xf32>
    %or3A = arith.ori %slice3A_11, %slice3A : vector<2048x128xi1>
    %convert_element_type3A_14 = arith.extui %or3A : vector<2048x128xi1> to vector<2048x128xi32>
    %convert_element_type3A_15 = arith.sitofp %convert_element_type3A_14 : vector<2048x128xi32> to vector<2048x128xf32>
    %reduce_sum3A = vector.shape_cast %convert_element_type3A_13 : vector<2048x128xf32> to vector<1x2048x128xf32>
    %reduce_sum3A_16 = arith.constant dense<0.000000e+00> : vector<1xf32>
    %reduce_sum3A_17 = vector.multi_reduction <add>, %reduce_sum3A, %reduce_sum3A_16 [1, 2] : vector<1x2048x128xf32> to vector<1xf32>
    %reduce_sum3A_18 = vector.shape_cast %reduce_sum3A_17 : vector<1xf32> to vector<1x1x1xf32>
    %reduce_sum3A_19 = vector.extract %reduce_sum3A_18[0, 0, 0] : f32 from vector<1x1x1xf32>
    %broadcast_in_dim3A = vector.broadcast %reduce_sum3A_19 : f32 to vector<1x1xf32>
    %reduce_sum3A_20 = vector.shape_cast %convert_element_type3A_15 : vector<2048x128xf32> to vector<1x2048x128xf32>
    %reduce_sum3A_21 = arith.constant dense<0.000000e+00> : vector<1xf32>
    %reduce_sum3A_22 = vector.multi_reduction <add>, %reduce_sum3A_20, %reduce_sum3A_21 [1, 2] : vector<1x2048x128xf32> to vector<1xf32>
    %reduce_sum3A_23 = vector.shape_cast %reduce_sum3A_22 : vector<1xf32> to vector<1x1x1xf32>
    %reduce_sum3A_24 = vector.extract %reduce_sum3A_23[0, 0, 0] : f32 from vector<1x1x1xf32>
    %broadcast_in_dim3A_25 = vector.broadcast %reduce_sum3A_24 : f32 to vector<1x1xf32>
    %slice3A_26 = vector.extract_strided_slice %gt3A_4 {offsets = [2048, 0], sizes = [2048, 128], strides = [1, 1]} : vector<24576x128xi1> to vector<2048x128xi1>
    %and3A_27 = arith.andi %slice3A_26, %slice3A : vector<2048x128xi1>
    %convert_element_type3A_28 = arith.extui %and3A_27 : vector<2048x128xi1> to vector<2048x128xi32>
    %convert_element_type3A_29 = arith.sitofp %convert_element_type3A_28 : vector<2048x128xi32> to vector<2048x128xf32>
    %or3A_30 = arith.ori %slice3A_26, %slice3A : vector<2048x128xi1>
    %convert_element_type3A_31 = arith.extui %or3A_30 : vector<2048x128xi1> to vector<2048x128xi32>
    %convert_element_type3A_32 = arith.sitofp %convert_element_type3A_31 : vector<2048x128xi32> to vector<2048x128xf32>
    %reduce_sum3A_33 = vector.shape_cast %convert_element_type3A_29 : vector<2048x128xf32> to vector<1x2048x128xf32>
    %reduce_sum3A_34 = arith.constant dense<0.000000e+00> : vector<1xf32>
    %reduce_sum3A_35 = vector.multi_reduction <add>, %reduce_sum3A_33, %reduce_sum3A_34 [1, 2] : vector<1x2048x128xf32> to vector<1xf32>
    %reduce_sum3A_36 = vector.shape_cast %reduce_sum3A_35 : vector<1xf32> to vector<1x1x1xf32>
    %reduce_sum3A_37 = vector.extract %reduce_sum3A_36[0, 0, 0] : f32 from vector<1x1x1xf32>
    %broadcast_in_dim3A_38 = vector.broadcast %reduce_sum3A_37 : f32 to vector<1x1xf32>
    %reduce_sum3A_39 = vector.shape_cast %convert_element_type3A_32 : vector<2048x128xf32> to vector<1x2048x128xf32>
    %reduce_sum3A_40 = arith.constant dense<0.000000e+00> : vector<1xf32>
    %reduce_sum3A_41 = vector.multi_reduction <add>, %reduce_sum3A_39, %reduce_sum3A_40 [1, 2] : vector<1x2048x128xf32> to vector<1xf32>
    %reduce_sum3A_42 = vector.shape_cast %reduce_sum3A_41 : vector<1xf32> to vector<1x1x1xf32>
    %reduce_sum3A_43 = vector.extract %reduce_sum3A_42[0, 0, 0] : f32 from vector<1x1x1xf32>
    %broadcast_in_dim3A_44 = vector.broadcast %reduce_sum3A_43 : f32 to vector<1x1xf32>
    %slice3A_45 = vector.extract_strided_slice %gt3A_4 {offsets = [4096, 0], sizes = [2048, 128], strides = [1, 1]} : vector<24576x128xi1> to vector<2048x128xi1>
    %and3A_46 = arith.andi %slice3A_45, %slice3A : vector<2048x128xi1>
    %convert_element_type3A_47 = arith.extui %and3A_46 : vector<2048x128xi1> to vector<2048x128xi32>
    %convert_element_type3A_48 = arith.sitofp %convert_element_type3A_47 : vector<2048x128xi32> to vector<2048x128xf32>
    %or3A_49 = arith.ori %slice3A_45, %slice3A : vector<2048x128xi1>
    %convert_element_type3A_50 = arith.extui %or3A_49 : vector<2048x128xi1> to vector<2048x128xi32>
    %convert_element_type3A_51 = arith.sitofp %convert_element_type3A_50 : vector<2048x128xi32> to vector<2048x128xf32>
    %reduce_sum3A_52 = vector.shape_cast %convert_element_type3A_48 : vector<2048x128xf32> to vector<1x2048x128xf32>
    %reduce_sum3A_53 = arith.constant dense<0.000000e+00> : vector<1xf32>
    %reduce_sum3A_54 = vector.multi_reduction <add>, %reduce_sum3A_52, %reduce_sum3A_53 [1, 2] : vector<1x2048x128xf32> to vector<1xf32>
    %reduce_sum3A_55 = vector.shape_cast %reduce_sum3A_54 : vector<1xf32> to vector<1x1x1xf32>
    %reduce_sum3A_56 = vector.extract %reduce_sum3A_55[0, 0, 0] : f32 from vector<1x1x1xf32>
    %broadcast_in_dim3A_57 = vector.broadcast %reduce_sum3A_56 : f32 to vector<1x1xf32>
    %reduce_sum3A_58 = vector.shape_cast %convert_element_type3A_51 : vector<2048x128xf32> to vector<1x2048x128xf32>
    %reduce_sum3A_59 = arith.constant dense<0.000000e+00> : vector<1xf32>
    %reduce_sum3A_60 = vector.multi_reduction <add>, %reduce_sum3A_58, %reduce_sum3A_59 [1, 2] : vector<1x2048x128xf32> to vector<1xf32>
    %reduce_sum3A_61 = vector.shape_cast %reduce_sum3A_60 : vector<1xf32> to vector<1x1x1xf32>
    %reduce_sum3A_62 = vector.extract %reduce_sum3A_61[0, 0, 0] : f32 from vector<1x1x1xf32>
    %broadcast_in_dim3A_63 = vector.broadcast %reduce_sum3A_62 : f32 to vector<1x1xf32>
    %concatenate3A = tpu.concatenate %broadcast_in_dim3A, %broadcast_in_dim3A_38, %broadcast_in_dim3A_57 in 0 : vector<1x1xf32>, vector<1x1xf32>, vector<1x1xf32> -> vector<3x1xf32>
    %concatenate3A_64 = tpu.concatenate %broadcast_in_dim3A_25, %broadcast_in_dim3A_44, %broadcast_in_dim3A_63 in 0 : vector<1x1xf32>, vector<1x1xf32>, vector<1x1xf32> -> vector<3x1xf32>
    %iota3A = tpu.iota {dimensions = array<i32: 1>} : vector<1x16xi32>
    %mul3A = arith.constant 4 : i32
    %mul3A_65 = arith.muli %mul3A, %arg0 : i32
    %add3A = arith.constant 0 : i32
    %add3A_66 = arith.addi %mul3A_65, %add3A : i32
    %eq3A_67 = vector.broadcast %add3A_66 : i32 to vector<1x16xi32>
    %eq3A_68 = arith.cmpi eq, %iota3A, %eq3A_67 : vector<1x16xi32>
    %convert_element_type3A_69 = arith.extui %eq3A_68 : vector<1x16xi1> to vector<1x16xi32>
    %convert_element_type3A_70 = arith.sitofp %convert_element_type3A_69 : vector<1x16xi32> to vector<1x16xf32>
    %get3A_71 = arith.constant 0 : index
    %get3A_72 = arith.constant 0 : index
    %get3A_73 = vector.load %arg3[%get3A_71, %get3A_72] : memref<3x16xf32, #tpu.memory_space<vmem>>, vector<3x16xf32>
    %mul3A_74 = vector.broadcast %concatenate3A : vector<3x1xf32> to vector<3x16xf32>
    %mul3A_75 = vector.broadcast %convert_element_type3A_70 : vector<1x16xf32> to vector<3x16xf32>
    %mul3A_76 = arith.mulf %mul3A_74, %mul3A_75 : vector<3x16xf32>
    %add3A_77 = arith.addf %get3A_73, %mul3A_76 : vector<3x16xf32>
    %swap3A = arith.constant 0 : index
    %swap3A_78 = arith.constant 0 : index
    %swap3A_79 = vector.load %arg3[%swap3A, %swap3A_78] : memref<3x16xf32, #tpu.memory_space<vmem>>, vector<3x16xf32>
    tpu.vector_store %arg3[%swap3A, %swap3A_78], %add3A_77 {strides = array<i32>} : memref<3x16xf32, #tpu.memory_space<vmem>>, vector<3x16xf32>,
    %get3A_80 = arith.constant 0 : index
    %get3A_81 = arith.constant 0 : index
    %get3A_82 = vector.load %arg4[%get3A_80, %get3A_81] : memref<3x16xf32, #tpu.memory_space<vmem>>, vector<3x16xf32>
    %mul3A_83 = vector.broadcast %concatenate3A_64 : vector<3x1xf32> to vector<3x16xf32>
    %mul3A_84 = vector.broadcast %convert_element_type3A_70 : vector<1x16xf32> to vector<3x16xf32>
    %mul3A_85 = arith.mulf %mul3A_83, %mul3A_84 : vector<3x16xf32>
    %add3A_86 = arith.addf %get3A_82, %mul3A_85 : vector<3x16xf32>
    %swap3A_87 = arith.constant 0 : index
    %swap3A_88 = arith.constant 0 : index
    %swap3A_89 = vector.load %arg4[%swap3A_87, %swap3A_88] : memref<3x16xf32, #tpu.memory_space<vmem>>, vector<3x16xf32>
    tpu.vector_store %arg4[%swap3A_87, %swap3A_88], %add3A_86 {strides = array<i32>} : memref<3x16xf32, #tpu.memory_space<vmem>>, vector<3x16xf32>,
    %slice3A_90 = vector.extract_strided_slice %gt3A_10 {offsets = [2048, 0], sizes = [2048, 128], strides = [1, 1]} : vector<8192x128xi1> to vector<2048x128xi1>
    %slice3A_91 = vector.extract_strided_slice %gt3A_4 {offsets = [6144, 0], sizes = [2048, 128], strides = [1, 1]} : vector<24576x128xi1> to vector<2048x128xi1>
    %and3A_92 = arith.andi %slice3A_91, %slice3A_90 : vector<2048x128xi1>
    %convert_element_type3A_93 = arith.extui %and3A_92 : vector<2048x128xi1> to vector<2048x128xi32>
    %convert_element_type3A_94 = arith.sitofp %convert_element_type3A_93 : vector<2048x128xi32> to vector<2048x128xf32>
    %or3A_95 = arith.ori %slice3A_91, %slice3A_90 : vector<2048x128xi1>
    %convert_element_type3A_96 = arith.extui %or3A_95 : vector<2048x128xi1> to vector<2048x128xi32>
    %convert_element_type3A_97 = arith.sitofp %convert_element_type3A_96 : vector<2048x128xi32> to vector<2048x128xf32>
    %reduce_sum3A_98 = vector.shape_cast %convert_element_type3A_94 : vector<2048x128xf32> to vector<1x2048x128xf32>
    %reduce_sum3A_99 = arith.constant dense<0.000000e+00> : vector<1xf32>
    %reduce_sum3A_100 = vector.multi_reduction <add>, %reduce_sum3A_98, %reduce_sum3A_99 [1, 2] : vector<1x2048x128xf32> to vector<1xf32>
    %reduce_sum3A_101 = vector.shape_cast %reduce_sum3A_100 : vector<1xf32> to vector<1x1x1xf32>
    %reduce_sum3A_102 = vector.extract %reduce_sum3A_101[0, 0, 0] : f32 from vector<1x1x1xf32>
    %broadcast_in_dim3A_103 = vector.broadcast %reduce_sum3A_102 : f32 to vector<1x1xf32>
    %reduce_sum3A_104 = vector.shape_cast %convert_element_type3A_97 : vector<2048x128xf32> to vector<1x2048x128xf32>
    %reduce_sum3A_105 = arith.constant dense<0.000000e+00> : vector<1xf32>
    %reduce_sum3A_106 = vector.multi_reduction <add>, %reduce_sum3A_104, %reduce_sum3A_105 [1, 2] : vector<1x2048x128xf32> to vector<1xf32>
    %reduce_sum3A_107 = vector.shape_cast %reduce_sum3A_106 : vector<1xf32> to vector<1x1x1xf32>
    %reduce_sum3A_108 = vector.extract %reduce_sum3A_107[0, 0, 0] : f32 from vector<1x1x1xf32>
    %broadcast_in_dim3A_109 = vector.broadcast %reduce_sum3A_108 : f32 to vector<1x1xf32>
    %slice3A_110 = vector.extract_strided_slice %gt3A_4 {offsets = [8192, 0], sizes = [2048, 128], strides = [1, 1]} : vector<24576x128xi1> to vector<2048x128xi1>
    %and3A_111 = arith.andi %slice3A_110, %slice3A_90 : vector<2048x128xi1>
    %convert_element_type3A_112 = arith.extui %and3A_111 : vector<2048x128xi1> to vector<2048x128xi32>
    %convert_element_type3A_113 = arith.sitofp %convert_element_type3A_112 : vector<2048x128xi32> to vector<2048x128xf32>
    %or3A_114 = arith.ori %slice3A_110, %slice3A_90 : vector<2048x128xi1>
    %convert_element_type3A_115 = arith.extui %or3A_114 : vector<2048x128xi1> to vector<2048x128xi32>
    %convert_element_type3A_116 = arith.sitofp %convert_element_type3A_115 : vector<2048x128xi32> to vector<2048x128xf32>
    %reduce_sum3A_117 = vector.shape_cast %convert_element_type3A_113 : vector<2048x128xf32> to vector<1x2048x128xf32>
    %reduce_sum3A_118 = arith.constant dense<0.000000e+00> : vector<1xf32>
    %reduce_sum3A_119 = vector.multi_reduction <add>, %reduce_sum3A_117, %reduce_sum3A_118 [1, 2] : vector<1x2048x128xf32> to vector<1xf32>
    %reduce_sum3A_120 = vector.shape_cast %reduce_sum3A_119 : vector<1xf32> to vector<1x1x1xf32>
    %reduce_sum3A_121 = vector.extract %reduce_sum3A_120[0, 0, 0] : f32 from vector<1x1x1xf32>
    %broadcast_in_dim3A_122 = vector.broadcast %reduce_sum3A_121 : f32 to vector<1x1xf32>
    %reduce_sum3A_123 = vector.shape_cast %convert_element_type3A_116 : vector<2048x128xf32> to vector<1x2048x128xf32>
    %reduce_sum3A_124 = arith.constant dense<0.000000e+00> : vector<1xf32>
    %reduce_sum3A_125 = vector.multi_reduction <add>, %reduce_sum3A_123, %reduce_sum3A_124 [1, 2] : vector<1x2048x128xf32> to vector<1xf32>
    %reduce_sum3A_126 = vector.shape_cast %reduce_sum3A_125 : vector<1xf32> to vector<1x1x1xf32>
    %reduce_sum3A_127 = vector.extract %reduce_sum3A_126[0, 0, 0] : f32 from vector<1x1x1xf32>
    %broadcast_in_dim3A_128 = vector.broadcast %reduce_sum3A_127 : f32 to vector<1x1xf32>
    %slice3A_129 = vector.extract_strided_slice %gt3A_4 {offsets = [10240, 0], sizes = [2048, 128], strides = [1, 1]} : vector<24576x128xi1> to vector<2048x128xi1>
    %and3A_130 = arith.andi %slice3A_129, %slice3A_90 : vector<2048x128xi1>
    %convert_element_type3A_131 = arith.extui %and3A_130 : vector<2048x128xi1> to vector<2048x128xi32>
    %convert_element_type3A_132 = arith.sitofp %convert_element_type3A_131 : vector<2048x128xi32> to vector<2048x128xf32>
    %or3A_133 = arith.ori %slice3A_129, %slice3A_90 : vector<2048x128xi1>
    %convert_element_type3A_134 = arith.extui %or3A_133 : vector<2048x128xi1> to vector<2048x128xi32>
    %convert_element_type3A_135 = arith.sitofp %convert_element_type3A_134 : vector<2048x128xi32> to vector<2048x128xf32>
    %reduce_sum3A_136 = vector.shape_cast %convert_element_type3A_132 : vector<2048x128xf32> to vector<1x2048x128xf32>
    %reduce_sum3A_137 = arith.constant dense<0.000000e+00> : vector<1xf32>
    %reduce_sum3A_138 = vector.multi_reduction <add>, %reduce_sum3A_136, %reduce_sum3A_137 [1, 2] : vector<1x2048x128xf32> to vector<1xf32>
    %reduce_sum3A_139 = vector.shape_cast %reduce_sum3A_138 : vector<1xf32> to vector<1x1x1xf32>
    %reduce_sum3A_140 = vector.extract %reduce_sum3A_139[0, 0, 0] : f32 from vector<1x1x1xf32>
    %broadcast_in_dim3A_141 = vector.broadcast %reduce_sum3A_140 : f32 to vector<1x1xf32>
    %reduce_sum3A_142 = vector.shape_cast %convert_element_type3A_135 : vector<2048x128xf32> to vector<1x2048x128xf32>
    %reduce_sum3A_143 = arith.constant dense<0.000000e+00> : vector<1xf32>
    %reduce_sum3A_144 = vector.multi_reduction <add>, %reduce_sum3A_142, %reduce_sum3A_143 [1, 2] : vector<1x2048x128xf32> to vector<1xf32>
    %reduce_sum3A_145 = vector.shape_cast %reduce_sum3A_144 : vector<1xf32> to vector<1x1x1xf32>
    %reduce_sum3A_146 = vector.extract %reduce_sum3A_145[0, 0, 0] : f32 from vector<1x1x1xf32>
    %broadcast_in_dim3A_147 = vector.broadcast %reduce_sum3A_146 : f32 to vector<1x1xf32>
    %concatenate3A_148 = tpu.concatenate %broadcast_in_dim3A_103, %broadcast_in_dim3A_122, %broadcast_in_dim3A_141 in 0 : vector<1x1xf32>, vector<1x1xf32>, vector<1x1xf32> -> vector<3x1xf32>
    %concatenate3A_149 = tpu.concatenate %broadcast_in_dim3A_109, %broadcast_in_dim3A_128, %broadcast_in_dim3A_147 in 0 : vector<1x1xf32>, vector<1x1xf32>, vector<1x1xf32> -> vector<3x1xf32>
    %iota3A_150 = tpu.iota {dimensions = array<i32: 1>} : vector<1x16xi32>
    %mul3A_151 = arith.constant 4 : i32
    %mul3A_152 = arith.muli %mul3A_151, %arg0 : i32
    %add3A_153 = arith.constant 1 : i32
    %add3A_154 = arith.addi %mul3A_152, %add3A_153 : i32
    %eq3A_155 = vector.broadcast %add3A_154 : i32 to vector<1x16xi32>
    %eq3A_156 = arith.cmpi eq, %iota3A_150, %eq3A_155 : vector<1x16xi32>
    %convert_element_type3A_157 = arith.extui %eq3A_156 : vector<1x16xi1> to vector<1x16xi32>
    %convert_element_type3A_158 = arith.sitofp %convert_element_type3A_157 : vector<1x16xi32> to vector<1x16xf32>
    %get3A_159 = arith.constant 0 : index
    %get3A_160 = arith.constant 0 : index
    %get3A_161 = vector.load %arg3[%get3A_159, %get3A_160] : memref<3x16xf32, #tpu.memory_space<vmem>>, vector<3x16xf32>
    %mul3A_162 = vector.broadcast %concatenate3A_148 : vector<3x1xf32> to vector<3x16xf32>
    %mul3A_163 = vector.broadcast %convert_element_type3A_158 : vector<1x16xf32> to vector<3x16xf32>
    %mul3A_164 = arith.mulf %mul3A_162, %mul3A_163 : vector<3x16xf32>
    %add3A_165 = arith.addf %get3A_161, %mul3A_164 : vector<3x16xf32>
    %swap3A_166 = arith.constant 0 : index
    %swap3A_167 = arith.constant 0 : index
    %swap3A_168 = vector.load %arg3[%swap3A_166, %swap3A_167] : memref<3x16xf32, #tpu.memory_space<vmem>>, vector<3x16xf32>
    tpu.vector_store %arg3[%swap3A_166, %swap3A_167], %add3A_165 {strides = array<i32>} : memref<3x16xf32, #tpu.memory_space<vmem>>, vector<3x16xf32>,
    %get3A_169 = arith.constant 0 : index
    %get3A_170 = arith.constant 0 : index
    %get3A_171 = vector.load %arg4[%get3A_169, %get3A_170] : memref<3x16xf32, #tpu.memory_space<vmem>>, vector<3x16xf32>
    %mul3A_172 = vector.broadcast %concatenate3A_149 : vector<3x1xf32> to vector<3x16xf32>
    %mul3A_173 = vector.broadcast %convert_element_type3A_158 : vector<1x16xf32> to vector<3x16xf32>
    %mul3A_174 = arith.mulf %mul3A_172, %mul3A_173 : vector<3x16xf32>
    %add3A_175 = arith.addf %get3A_171, %mul3A_174 : vector<3x16xf32>
    %swap3A_176 = arith.constant 0 : index
    %swap3A_177 = arith.constant 0 : index
    %swap3A_178 = vector.load %arg4[%swap3A_176, %swap3A_177] : memref<3x16xf32, #tpu.memory_space<vmem>>, vector<3x16xf32>
    tpu.vector_store %arg4[%swap3A_176, %swap3A_177], %add3A_175 {strides = array<i32>} : memref<3x16xf32, #tpu.memory_space<vmem>>, vector<3x16xf32>,
    %slice3A_179 = vector.extract_strided_slice %gt3A_10 {offsets = [4096, 0], sizes = [2048, 128], strides = [1, 1]} : vector<8192x128xi1> to vector<2048x128xi1>
    %slice3A_180 = vector.extract_strided_slice %gt3A_4 {offsets = [12288, 0], sizes = [2048, 128], strides = [1, 1]} : vector<24576x128xi1> to vector<2048x128xi1>
    %and3A_181 = arith.andi %slice3A_180, %slice3A_179 : vector<2048x128xi1>
    %convert_element_type3A_182 = arith.extui %and3A_181 : vector<2048x128xi1> to vector<2048x128xi32>
    %convert_element_type3A_183 = arith.sitofp %convert_element_type3A_182 : vector<2048x128xi32> to vector<2048x128xf32>
    %or3A_184 = arith.ori %slice3A_180, %slice3A_179 : vector<2048x128xi1>
    %convert_element_type3A_185 = arith.extui %or3A_184 : vector<2048x128xi1> to vector<2048x128xi32>
    %convert_element_type3A_186 = arith.sitofp %convert_element_type3A_185 : vector<2048x128xi32> to vector<2048x128xf32>
    %reduce_sum3A_187 = vector.shape_cast %convert_element_type3A_183 : vector<2048x128xf32> to vector<1x2048x128xf32>
    %reduce_sum3A_188 = arith.constant dense<0.000000e+00> : vector<1xf32>
    %reduce_sum3A_189 = vector.multi_reduction <add>, %reduce_sum3A_187, %reduce_sum3A_188 [1, 2] : vector<1x2048x128xf32> to vector<1xf32>
    %reduce_sum3A_190 = vector.shape_cast %reduce_sum3A_189 : vector<1xf32> to vector<1x1x1xf32>
    %reduce_sum3A_191 = vector.extract %reduce_sum3A_190[0, 0, 0] : f32 from vector<1x1x1xf32>
    %broadcast_in_dim3A_192 = vector.broadcast %reduce_sum3A_191 : f32 to vector<1x1xf32>
    %reduce_sum3A_193 = vector.shape_cast %convert_element_type3A_186 : vector<2048x128xf32> to vector<1x2048x128xf32>
    %reduce_sum3A_194 = arith.constant dense<0.000000e+00> : vector<1xf32>
    %reduce_sum3A_195 = vector.multi_reduction <add>, %reduce_sum3A_193, %reduce_sum3A_194 [1, 2] : vector<1x2048x128xf32> to vector<1xf32>
    %reduce_sum3A_196 = vector.shape_cast %reduce_sum3A_195 : vector<1xf32> to vector<1x1x1xf32>
    %reduce_sum3A_197 = vector.extract %reduce_sum3A_196[0, 0, 0] : f32 from vector<1x1x1xf32>
    %broadcast_in_dim3A_198 = vector.broadcast %reduce_sum3A_197 : f32 to vector<1x1xf32>
    %slice3A_199 = vector.extract_strided_slice %gt3A_4 {offsets = [14336, 0], sizes = [2048, 128], strides = [1, 1]} : vector<24576x128xi1> to vector<2048x128xi1>
    %and3A_200 = arith.andi %slice3A_199, %slice3A_179 : vector<2048x128xi1>
    %convert_element_type3A_201 = arith.extui %and3A_200 : vector<2048x128xi1> to vector<2048x128xi32>
    %convert_element_type3A_202 = arith.sitofp %convert_element_type3A_201 : vector<2048x128xi32> to vector<2048x128xf32>
    %or3A_203 = arith.ori %slice3A_199, %slice3A_179 : vector<2048x128xi1>
    %convert_element_type3A_204 = arith.extui %or3A_203 : vector<2048x128xi1> to vector<2048x128xi32>
    %convert_element_type3A_205 = arith.sitofp %convert_element_type3A_204 : vector<2048x128xi32> to vector<2048x128xf32>
    %reduce_sum3A_206 = vector.shape_cast %convert_element_type3A_202 : vector<2048x128xf32> to vector<1x2048x128xf32>
    %reduce_sum3A_207 = arith.constant dense<0.000000e+00> : vector<1xf32>
    %reduce_sum3A_208 = vector.multi_reduction <add>, %reduce_sum3A_206, %reduce_sum3A_207 [1, 2] : vector<1x2048x128xf32> to vector<1xf32>
    %reduce_sum3A_209 = vector.shape_cast %reduce_sum3A_208 : vector<1xf32> to vector<1x1x1xf32>
    %reduce_sum3A_210 = vector.extract %reduce_sum3A_209[0, 0, 0] : f32 from vector<1x1x1xf32>
    %broadcast_in_dim3A_211 = vector.broadcast %reduce_sum3A_210 : f32 to vector<1x1xf32>
    %reduce_sum3A_212 = vector.shape_cast %convert_element_type3A_205 : vector<2048x128xf32> to vector<1x2048x128xf32>
    %reduce_sum3A_213 = arith.constant dense<0.000000e+00> : vector<1xf32>
    %reduce_sum3A_214 = vector.multi_reduction <add>, %reduce_sum3A_212, %reduce_sum3A_213 [1, 2] : vector<1x2048x128xf32> to vector<1xf32>
    %reduce_sum3A_215 = vector.shape_cast %reduce_sum3A_214 : vector<1xf32> to vector<1x1x1xf32>
    %reduce_sum3A_216 = vector.extract %reduce_sum3A_215[0, 0, 0] : f32 from vector<1x1x1xf32>
    %broadcast_in_dim3A_217 = vector.broadcast %reduce_sum3A_216 : f32 to vector<1x1xf32>
    %slice3A_218 = vector.extract_strided_slice %gt3A_4 {offsets = [16384, 0], sizes = [2048, 128], strides = [1, 1]} : vector<24576x128xi1> to vector<2048x128xi1>
    %and3A_219 = arith.andi %slice3A_218, %slice3A_179 : vector<2048x128xi1>
    %convert_element_type3A_220 = arith.extui %and3A_219 : vector<2048x128xi1> to vector<2048x128xi32>
    %convert_element_type3A_221 = arith.sitofp %convert_element_type3A_220 : vector<2048x128xi32> to vector<2048x128xf32>
    %or3A_222 = arith.ori %slice3A_218, %slice3A_179 : vector<2048x128xi1>
    %convert_element_type3A_223 = arith.extui %or3A_222 : vector<2048x128xi1> to vector<2048x128xi32>
    %convert_element_type3A_224 = arith.sitofp %convert_element_type3A_223 : vector<2048x128xi32> to vector<2048x128xf32>
    %reduce_sum3A_225 = vector.shape_cast %convert_element_type3A_221 : vector<2048x128xf32> to vector<1x2048x128xf32>
    %reduce_sum3A_226 = arith.constant dense<0.000000e+00> : vector<1xf32>
    %reduce_sum3A_227 = vector.multi_reduction <add>, %reduce_sum3A_225, %reduce_sum3A_226 [1, 2] : vector<1x2048x128xf32> to vector<1xf32>
    %reduce_sum3A_228 = vector.shape_cast %reduce_sum3A_227 : vector<1xf32> to vector<1x1x1xf32>
    %reduce_sum3A_229 = vector.extract %reduce_sum3A_228[0, 0, 0] : f32 from vector<1x1x1xf32>
    %broadcast_in_dim3A_230 = vector.broadcast %reduce_sum3A_229 : f32 to vector<1x1xf32>
    %reduce_sum3A_231 = vector.shape_cast %convert_element_type3A_224 : vector<2048x128xf32> to vector<1x2048x128xf32>
    %reduce_sum3A_232 = arith.constant dense<0.000000e+00> : vector<1xf32>
    %reduce_sum3A_233 = vector.multi_reduction <add>, %reduce_sum3A_231, %reduce_sum3A_232 [1, 2] : vector<1x2048x128xf32> to vector<1xf32>
    %reduce_sum3A_234 = vector.shape_cast %reduce_sum3A_233 : vector<1xf32> to vector<1x1x1xf32>
    %reduce_sum3A_235 = vector.extract %reduce_sum3A_234[0, 0, 0] : f32 from vector<1x1x1xf32>
    %broadcast_in_dim3A_236 = vector.broadcast %reduce_sum3A_235 : f32 to vector<1x1xf32>
    %concatenate3A_237 = tpu.concatenate %broadcast_in_dim3A_192, %broadcast_in_dim3A_211, %broadcast_in_dim3A_230 in 0 : vector<1x1xf32>, vector<1x1xf32>, vector<1x1xf32> -> vector<3x1xf32>
    %concatenate3A_238 = tpu.concatenate %broadcast_in_dim3A_198, %broadcast_in_dim3A_217, %broadcast_in_dim3A_236 in 0 : vector<1x1xf32>, vector<1x1xf32>, vector<1x1xf32> -> vector<3x1xf32>
    %iota3A_239 = tpu.iota {dimensions = array<i32: 1>} : vector<1x16xi32>
    %mul3A_240 = arith.constant 4 : i32
    %mul3A_241 = arith.muli %mul3A_240, %arg0 : i32
    %add3A_242 = arith.constant 2 : i32
    %add3A_243 = arith.addi %mul3A_241, %add3A_242 : i32
    %eq3A_244 = vector.broadcast %add3A_243 : i32 to vector<1x16xi32>
    %eq3A_245 = arith.cmpi eq, %iota3A_239, %eq3A_244 : vector<1x16xi32>
    %convert_element_type3A_246 = arith.extui %eq3A_245 : vector<1x16xi1> to vector<1x16xi32>
    %convert_element_type3A_247 = arith.sitofp %convert_element_type3A_246 : vector<1x16xi32> to vector<1x16xf32>
    %get3A_248 = arith.constant 0 : index
    %get3A_249 = arith.constant 0 : index
    %get3A_250 = vector.load %arg3[%get3A_248, %get3A_249] : memref<3x16xf32, #tpu.memory_space<vmem>>, vector<3x16xf32>
    %mul3A_251 = vector.broadcast %concatenate3A_237 : vector<3x1xf32> to vector<3x16xf32>
    %mul3A_252 = vector.broadcast %convert_element_type3A_247 : vector<1x16xf32> to vector<3x16xf32>
    %mul3A_253 = arith.mulf %mul3A_251, %mul3A_252 : vector<3x16xf32>
    %add3A_254 = arith.addf %get3A_250, %mul3A_253 : vector<3x16xf32>
    %swap3A_255 = arith.constant 0 : index
    %swap3A_256 = arith.constant 0 : index
    %swap3A_257 = vector.load %arg3[%swap3A_255, %swap3A_256] : memref<3x16xf32, #tpu.memory_space<vmem>>, vector<3x16xf32>
    tpu.vector_store %arg3[%swap3A_255, %swap3A_256], %add3A_254 {strides = array<i32>} : memref<3x16xf32, #tpu.memory_space<vmem>>, vector<3x16xf32>,
    %get3A_258 = arith.constant 0 : index
    %get3A_259 = arith.constant 0 : index
    %get3A_260 = vector.load %arg4[%get3A_258, %get3A_259] : memref<3x16xf32, #tpu.memory_space<vmem>>, vector<3x16xf32>
    %mul3A_261 = vector.broadcast %concatenate3A_238 : vector<3x1xf32> to vector<3x16xf32>
    %mul3A_262 = vector.broadcast %convert_element_type3A_247 : vector<1x16xf32> to vector<3x16xf32>
    %mul3A_263 = arith.mulf %mul3A_261, %mul3A_262 : vector<3x16xf32>
    %add3A_264 = arith.addf %get3A_260, %mul3A_263 : vector<3x16xf32>
    %swap3A_265 = arith.constant 0 : index
    %swap3A_266 = arith.constant 0 : index
    %swap3A_267 = vector.load %arg4[%swap3A_265, %swap3A_266] : memref<3x16xf32, #tpu.memory_space<vmem>>, vector<3x16xf32>
    tpu.vector_store %arg4[%swap3A_265, %swap3A_266], %add3A_264 {strides = array<i32>} : memref<3x16xf32, #tpu.memory_space<vmem>>, vector<3x16xf32>,
    %slice3A_268 = vector.extract_strided_slice %gt3A_10 {offsets = [6144, 0], sizes = [2048, 128], strides = [1, 1]} : vector<8192x128xi1> to vector<2048x128xi1>
    %slice3A_269 = vector.extract_strided_slice %gt3A_4 {offsets = [18432, 0], sizes = [2048, 128], strides = [1, 1]} : vector<24576x128xi1> to vector<2048x128xi1>
    %and3A_270 = arith.andi %slice3A_269, %slice3A_268 : vector<2048x128xi1>
    %convert_element_type3A_271 = arith.extui %and3A_270 : vector<2048x128xi1> to vector<2048x128xi32>
    %convert_element_type3A_272 = arith.sitofp %convert_element_type3A_271 : vector<2048x128xi32> to vector<2048x128xf32>
    %or3A_273 = arith.ori %slice3A_269, %slice3A_268 : vector<2048x128xi1>
    %convert_element_type3A_274 = arith.extui %or3A_273 : vector<2048x128xi1> to vector<2048x128xi32>
    %convert_element_type3A_275 = arith.sitofp %convert_element_type3A_274 : vector<2048x128xi32> to vector<2048x128xf32>
    %reduce_sum3A_276 = vector.shape_cast %convert_element_type3A_272 : vector<2048x128xf32> to vector<1x2048x128xf32>
    %reduce_sum3A_277 = arith.constant dense<0.000000e+00> : vector<1xf32>
    %reduce_sum3A_278 = vector.multi_reduction <add>, %reduce_sum3A_276, %reduce_sum3A_277 [1, 2] : vector<1x2048x128xf32> to vector<1xf32>
    %reduce_sum3A_279 = vector.shape_cast %reduce_sum3A_278 : vector<1xf32> to vector<1x1x1xf32>
    %reduce_sum3A_280 = vector.extract %reduce_sum3A_279[0, 0, 0] : f32 from vector<1x1x1xf32>
    %broadcast_in_dim3A_281 = vector.broadcast %reduce_sum3A_280 : f32 to vector<1x1xf32>
    %reduce_sum3A_282 = vector.shape_cast %convert_element_type3A_275 : vector<2048x128xf32> to vector<1x2048x128xf32>
    %reduce_sum3A_283 = arith.constant dense<0.000000e+00> : vector<1xf32>
    %reduce_sum3A_284 = vector.multi_reduction <add>, %reduce_sum3A_282, %reduce_sum3A_283 [1, 2] : vector<1x2048x128xf32> to vector<1xf32>
    %reduce_sum3A_285 = vector.shape_cast %reduce_sum3A_284 : vector<1xf32> to vector<1x1x1xf32>
    %reduce_sum3A_286 = vector.extract %reduce_sum3A_285[0, 0, 0] : f32 from vector<1x1x1xf32>
    %broadcast_in_dim3A_287 = vector.broadcast %reduce_sum3A_286 : f32 to vector<1x1xf32>
    %slice3A_288 = vector.extract_strided_slice %gt3A_4 {offsets = [20480, 0], sizes = [2048, 128], strides = [1, 1]} : vector<24576x128xi1> to vector<2048x128xi1>
    %and3A_289 = arith.andi %slice3A_288, %slice3A_268 : vector<2048x128xi1>
    %convert_element_type3A_290 = arith.extui %and3A_289 : vector<2048x128xi1> to vector<2048x128xi32>
    %convert_element_type3A_291 = arith.sitofp %convert_element_type3A_290 : vector<2048x128xi32> to vector<2048x128xf32>
    %or3A_292 = arith.ori %slice3A_288, %slice3A_268 : vector<2048x128xi1>
    %convert_element_type3A_293 = arith.extui %or3A_292 : vector<2048x128xi1> to vector<2048x128xi32>
    %convert_element_type3A_294 = arith.sitofp %convert_element_type3A_293 : vector<2048x128xi32> to vector<2048x128xf32>
    %reduce_sum3A_295 = vector.shape_cast %convert_element_type3A_291 : vector<2048x128xf32> to vector<1x2048x128xf32>
    %reduce_sum3A_296 = arith.constant dense<0.000000e+00> : vector<1xf32>
    %reduce_sum3A_297 = vector.multi_reduction <add>, %reduce_sum3A_295, %reduce_sum3A_296 [1, 2] : vector<1x2048x128xf32> to vector<1xf32>
    %reduce_sum3A_298 = vector.shape_cast %reduce_sum3A_297 : vector<1xf32> to vector<1x1x1xf32>
    %reduce_sum3A_299 = vector.extract %reduce_sum3A_298[0, 0, 0] : f32 from vector<1x1x1xf32>
    %broadcast_in_dim3A_300 = vector.broadcast %reduce_sum3A_299 : f32 to vector<1x1xf32>
    %reduce_sum3A_301 = vector.shape_cast %convert_element_type3A_294 : vector<2048x128xf32> to vector<1x2048x128xf32>
    %reduce_sum3A_302 = arith.constant dense<0.000000e+00> : vector<1xf32>
    %reduce_sum3A_303 = vector.multi_reduction <add>, %reduce_sum3A_301, %reduce_sum3A_302 [1, 2] : vector<1x2048x128xf32> to vector<1xf32>
    %reduce_sum3A_304 = vector.shape_cast %reduce_sum3A_303 : vector<1xf32> to vector<1x1x1xf32>
    %reduce_sum3A_305 = vector.extract %reduce_sum3A_304[0, 0, 0] : f32 from vector<1x1x1xf32>
    %broadcast_in_dim3A_306 = vector.broadcast %reduce_sum3A_305 : f32 to vector<1x1xf32>
    %slice3A_307 = vector.extract_strided_slice %gt3A_4 {offsets = [22528, 0], sizes = [2048, 128], strides = [1, 1]} : vector<24576x128xi1> to vector<2048x128xi1>
    %and3A_308 = arith.andi %slice3A_307, %slice3A_268 : vector<2048x128xi1>
    %convert_element_type3A_309 = arith.extui %and3A_308 : vector<2048x128xi1> to vector<2048x128xi32>
    %convert_element_type3A_310 = arith.sitofp %convert_element_type3A_309 : vector<2048x128xi32> to vector<2048x128xf32>
    %or3A_311 = arith.ori %slice3A_307, %slice3A_268 : vector<2048x128xi1>
    %convert_element_type3A_312 = arith.extui %or3A_311 : vector<2048x128xi1> to vector<2048x128xi32>
    %convert_element_type3A_313 = arith.sitofp %convert_element_type3A_312 : vector<2048x128xi32> to vector<2048x128xf32>
    %reduce_sum3A_314 = vector.shape_cast %convert_element_type3A_310 : vector<2048x128xf32> to vector<1x2048x128xf32>
    %reduce_sum3A_315 = arith.constant dense<0.000000e+00> : vector<1xf32>
    %reduce_sum3A_316 = vector.multi_reduction <add>, %reduce_sum3A_314, %reduce_sum3A_315 [1, 2] : vector<1x2048x128xf32> to vector<1xf32>
    %reduce_sum3A_317 = vector.shape_cast %reduce_sum3A_316 : vector<1xf32> to vector<1x1x1xf32>
    %reduce_sum3A_318 = vector.extract %reduce_sum3A_317[0, 0, 0] : f32 from vector<1x1x1xf32>
    %broadcast_in_dim3A_319 = vector.broadcast %reduce_sum3A_318 : f32 to vector<1x1xf32>
    %reduce_sum3A_320 = vector.shape_cast %convert_element_type3A_313 : vector<2048x128xf32> to vector<1x2048x128xf32>
    %reduce_sum3A_321 = arith.constant dense<0.000000e+00> : vector<1xf32>
    %reduce_sum3A_322 = vector.multi_reduction <add>, %reduce_sum3A_320, %reduce_sum3A_321 [1, 2] : vector<1x2048x128xf32> to vector<1xf32>
    %reduce_sum3A_323 = vector.shape_cast %reduce_sum3A_322 : vector<1xf32> to vector<1x1x1xf32>
    %reduce_sum3A_324 = vector.extract %reduce_sum3A_323[0, 0, 0] : f32 from vector<1x1x1xf32>
    %broadcast_in_dim3A_325 = vector.broadcast %reduce_sum3A_324 : f32 to vector<1x1xf32>
    %concatenate3A_326 = tpu.concatenate %broadcast_in_dim3A_281, %broadcast_in_dim3A_300, %broadcast_in_dim3A_319 in 0 : vector<1x1xf32>, vector<1x1xf32>, vector<1x1xf32> -> vector<3x1xf32>
    %concatenate3A_327 = tpu.concatenate %broadcast_in_dim3A_287, %broadcast_in_dim3A_306, %broadcast_in_dim3A_325 in 0 : vector<1x1xf32>, vector<1x1xf32>, vector<1x1xf32> -> vector<3x1xf32>
    %iota3A_328 = tpu.iota {dimensions = array<i32: 1>} : vector<1x16xi32>
    %mul3A_329 = arith.constant 4 : i32
    %mul3A_330 = arith.muli %mul3A_329, %arg0 : i32
    %add3A_331 = arith.constant 3 : i32
    %add3A_332 = arith.addi %mul3A_330, %add3A_331 : i32
    %eq3A_333 = vector.broadcast %add3A_332 : i32 to vector<1x16xi32>
    %eq3A_334 = arith.cmpi eq, %iota3A_328, %eq3A_333 : vector<1x16xi32>
    %convert_element_type3A_335 = arith.extui %eq3A_334 : vector<1x16xi1> to vector<1x16xi32>
    %convert_element_type3A_336 = arith.sitofp %convert_element_type3A_335 : vector<1x16xi32> to vector<1x16xf32>
    %get3A_337 = arith.constant 0 : index
    %get3A_338 = arith.constant 0 : index
    %get3A_339 = vector.load %arg3[%get3A_337, %get3A_338] : memref<3x16xf32, #tpu.memory_space<vmem>>, vector<3x16xf32>
    %mul3A_340 = vector.broadcast %concatenate3A_326 : vector<3x1xf32> to vector<3x16xf32>
    %mul3A_341 = vector.broadcast %convert_element_type3A_336 : vector<1x16xf32> to vector<3x16xf32>
    %mul3A_342 = arith.mulf %mul3A_340, %mul3A_341 : vector<3x16xf32>
    %add3A_343 = arith.addf %get3A_339, %mul3A_342 : vector<3x16xf32>
    %swap3A_344 = arith.constant 0 : index
    %swap3A_345 = arith.constant 0 : index
    %swap3A_346 = vector.load %arg3[%swap3A_344, %swap3A_345] : memref<3x16xf32, #tpu.memory_space<vmem>>, vector<3x16xf32>
    tpu.vector_store %arg3[%swap3A_344, %swap3A_345], %add3A_343 {strides = array<i32>} : memref<3x16xf32, #tpu.memory_space<vmem>>, vector<3x16xf32>,
    %get3A_347 = arith.constant 0 : index
    %get3A_348 = arith.constant 0 : index
    %get3A_349 = vector.load %arg4[%get3A_347, %get3A_348] : memref<3x16xf32, #tpu.memory_space<vmem>>, vector<3x16xf32>
    %mul3A_350 = vector.broadcast %concatenate3A_327 : vector<3x1xf32> to vector<3x16xf32>
    %mul3A_351 = vector.broadcast %convert_element_type3A_336 : vector<1x16xf32> to vector<3x16xf32>
    %mul3A_352 = arith.mulf %mul3A_350, %mul3A_351 : vector<3x16xf32>
    %add3A_353 = arith.addf %get3A_349, %mul3A_352 : vector<3x16xf32>
    %swap3A_354 = arith.constant 0 : index
    %swap3A_355 = arith.constant 0 : index
    %swap3A_356 = vector.load %arg4[%swap3A_354, %swap3A_355] : memref<3x16xf32, #tpu.memory_space<vmem>>, vector<3x16xf32>
    tpu.vector_store %arg4[%swap3A_354, %swap3A_355], %add3A_353 {strides = array<i32>} : memref<3x16xf32, #tpu.memory_space<vmem>>, vector<3x16xf32>,
    return
  }
  func.func @transform_0(%arg0: i32) -> i32 {
    %c0_i32 = arith.constant 0 : i32
    return %arg0 : i32
  }
  func.func @transform_1(%arg0: i32) -> i32 {
    %c0_i32 = arith.constant 0 : i32
    return %arg0 : i32
  }
  func.func @transform_2(%arg0: i32) -> (i32, i32) {
    %c0_i32 = arith.constant 0 : i32
    %c0_i32_0 = arith.constant 0 : i32
    %c0_i32_1 = arith.constant 0 : i32
    return %c0_i32, %c0_i32_0 : i32, i32
  }
  func.func @transform_3(%arg0: i32) -> (i32, i32) {
    %c0_i32 = arith.constant 0 : i32
    %c0_i32_0 = arith.constant 0 : i32
    %c0_i32_1 = arith.constant 0 : i32
    return %c0_i32, %c0_i32_0 : i32, i32
  }
}

module attributes {stable_mosaic.version = 14 : i64} {
  func.func @_combine_body(%arg0: memref<3x16x6656xf32, #tpu.memory_space<vmem>>, %arg1: memref<16x6656xf32, #tpu.memory_space<vmem>>, %arg2: memref<3x16xf32, #tpu.memory_space<vmem>>, %arg3: memref<3x16xf32, #tpu.memory_space<vmem>>, %arg4: memref<3x16xf32, #tpu.memory_space<vmem>>, %arg5: memref<1x1xf32, #tpu.memory_space<vmem>>) attributes {dimension_semantics = [], scalar_prefetch = 0 : i64, scratch_operands = 0 : i64, tpu.core_type = #tpu.core_type<tc>} {
    %get3A = arith.constant 0 : index
    %get3A_0 = arith.constant 0 : index
    %get3A_1 = arith.constant 0 : index
    %get3A_2 = vector.load %arg0[%get3A, %get3A_0, %get3A_1] : memref<3x16x6656xf32, #tpu.memory_space<vmem>>, vector<3x16x6656xf32>
    %get3A_3 = arith.constant 0 : index
    %get3A_4 = arith.constant 0 : index
    %get3A_5 = vector.load %arg1[%get3A_3, %get3A_4] : memref<16x6656xf32, #tpu.memory_space<vmem>>, vector<16x6656xf32>
    %abs3A = math.absf %get3A_2 : vector<3x16x6656xf32>
    %slice3A = vector.extract_strided_slice %abs3A {offsets = [0, 0, 0], sizes = [1, 16, 6656], strides = [1, 1, 1]} : vector<3x16x6656xf32> to vector<1x16x6656xf32>
    %squeeze3A = vector.shape_cast %slice3A : vector<1x16x6656xf32> to vector<16x6656xf32>
    %slice3A_6 = vector.extract_strided_slice %abs3A {offsets = [1, 0, 0], sizes = [1, 16, 6656], strides = [1, 1, 1]} : vector<3x16x6656xf32> to vector<1x16x6656xf32>
    %squeeze3A_7 = vector.shape_cast %slice3A_6 : vector<1x16x6656xf32> to vector<16x6656xf32>
    %add3A = arith.addf %squeeze3A, %squeeze3A_7 : vector<16x6656xf32>
    %slice3A_8 = vector.extract_strided_slice %abs3A {offsets = [2, 0, 0], sizes = [1, 16, 6656], strides = [1, 1, 1]} : vector<3x16x6656xf32> to vector<1x16x6656xf32>
    %squeeze3A_9 = vector.shape_cast %slice3A_8 : vector<1x16x6656xf32> to vector<16x6656xf32>
    %add3A_10 = arith.addf %add3A, %squeeze3A_9 : vector<16x6656xf32>
    %div3A = arith.constant 3.000000e+00 : f32
    %div3A_11 = vector.broadcast %div3A : f32 to vector<16x6656xf32>
    %div3A_12 = arith.divf %add3A_10, %div3A_11 : vector<16x6656xf32>
    %neg3A = arith.constant 0.000000e+00 : f32
    %neg3A_13 = vector.broadcast %neg3A : f32 to vector<16x6656xf32>
    %neg3A_14 = arith.subf %neg3A_13, %div3A_12 : vector<16x6656xf32>
    %slice3A_15 = vector.extract_strided_slice %neg3A_14 {offsets = [0, 0], sizes = [16, 6144], strides = [1, 1]} : vector<16x6656xf32> to vector<16x6144xf32>
    %bitcast_convert_type3A = tpu.bitcast %slice3A_15 : vector<16x6144xf32> -> vector<16x6144xi32>
    %ge3A = arith.constant -2147483648 : i32
    %ge3A_16 = vector.broadcast %ge3A : i32 to vector<16x6144xi32>
    %ge3A_17 = arith.cmpi uge, %bitcast_convert_type3A, %ge3A_16 : vector<16x6144xi32>
    %not3A = arith.constant dense<-1> : vector<16x6144xi32>
    %not3A_18 = arith.xori %bitcast_convert_type3A, %not3A : vector<16x6144xi32>
    %or3A = arith.constant -2147483648 : i32
    %or3A_19 = vector.broadcast %or3A : i32 to vector<16x6144xi32>
    %or3A_20 = arith.ori %bitcast_convert_type3A, %or3A_19 : vector<16x6144xi32>
    %select_n3A = arith.select %ge3A_17, %not3A_18, %or3A_20 : vector<16x6144xi1>, vector<16x6144xi32>
    %broadcast_in_dim3A = arith.constant 0 : i32
    %broadcast_in_dim3A_21 = vector.broadcast %broadcast_in_dim3A : i32 to vector<16x1xi32>
    %or3A_22 = arith.constant -2147483648 : i32
    %or3A_23 = vector.broadcast %or3A_22 : i32 to vector<16x1xi32>
    %or3A_24 = arith.ori %broadcast_in_dim3A_21, %or3A_23 : vector<16x1xi32>
    %ge3A_25 = vector.broadcast %or3A_24 : vector<16x1xi32> to vector<16x6144xi32>
    %ge3A_26 = arith.cmpi uge, %select_n3A, %ge3A_25 : vector<16x6144xi32>
    %convert_element_type3A = arith.extui %ge3A_26 : vector<16x6144xi1> to vector<16x6144xi32>
    %reduce_sum3A = arith.constant dense<0> : vector<16xi32>
    %reduce_sum3A_27 = vector.multi_reduction <add>, %convert_element_type3A, %reduce_sum3A [1] : vector<16x6144xi32> to vector<16xi32>
    %broadcast_in_dim3A_28 = vector.shape_cast %reduce_sum3A_27 : vector<16xi32> to vector<16x1xi32>
    %ge3A_29 = arith.constant 1536 : i32
    %ge3A_30 = vector.broadcast %ge3A_29 : i32 to vector<16x1xi32>
    %ge3A_31 = arith.cmpi sge, %broadcast_in_dim3A_28, %ge3A_30 : vector<16x1xi32>
    %select_n3A_32 = arith.select %ge3A_31, %or3A_24, %broadcast_in_dim3A_21 : vector<16x1xi1>, vector<16x1xi32>
    %or3A_33 = arith.constant 1073741824 : i32
    %or3A_34 = vector.broadcast %or3A_33 : i32 to vector<16x1xi32>
    %or3A_35 = arith.ori %select_n3A_32, %or3A_34 : vector<16x1xi32>
    %ge3A_36 = vector.broadcast %or3A_35 : vector<16x1xi32> to vector<16x6144xi32>
    %ge3A_37 = arith.cmpi uge, %select_n3A, %ge3A_36 : vector<16x6144xi32>
    %convert_element_type3A_38 = arith.extui %ge3A_37 : vector<16x6144xi1> to vector<16x6144xi32>
    %reduce_sum3A_39 = arith.constant dense<0> : vector<16xi32>
    %reduce_sum3A_40 = vector.multi_reduction <add>, %convert_element_type3A_38, %reduce_sum3A_39 [1] : vector<16x6144xi32> to vector<16xi32>
    %broadcast_in_dim3A_41 = vector.shape_cast %reduce_sum3A_40 : vector<16xi32> to vector<16x1xi32>
    %ge3A_42 = arith.constant 1536 : i32
    %ge3A_43 = vector.broadcast %ge3A_42 : i32 to vector<16x1xi32>
    %ge3A_44 = arith.cmpi sge, %broadcast_in_dim3A_41, %ge3A_43 : vector<16x1xi32>
    %select_n3A_45 = arith.select %ge3A_44, %or3A_35, %select_n3A_32 : vector<16x1xi1>, vector<16x1xi32>
    %or3A_46 = arith.constant 536870912 : i32
    %or3A_47 = vector.broadcast %or3A_46 : i32 to vector<16x1xi32>
    %or3A_48 = arith.ori %select_n3A_45, %or3A_47 : vector<16x1xi32>
    %ge3A_49 = vector.broadcast %or3A_48 : vector<16x1xi32> to vector<16x6144xi32>
    %ge3A_50 = arith.cmpi uge, %select_n3A, %ge3A_49 : vector<16x6144xi32>
    %convert_element_type3A_51 = arith.extui %ge3A_50 : vector<16x6144xi1> to vector<16x6144xi32>
    %reduce_sum3A_52 = arith.constant dense<0> : vector<16xi32>
    %reduce_sum3A_53 = vector.multi_reduction <add>, %convert_element_type3A_51, %reduce_sum3A_52 [1] : vector<16x6144xi32> to vector<16xi32>
    %broadcast_in_dim3A_54 = vector.shape_cast %reduce_sum3A_53 : vector<16xi32> to vector<16x1xi32>
    %ge3A_55 = arith.constant 1536 : i32
    %ge3A_56 = vector.broadcast %ge3A_55 : i32 to vector<16x1xi32>
    %ge3A_57 = arith.cmpi sge, %broadcast_in_dim3A_54, %ge3A_56 : vector<16x1xi32>
    %select_n3A_58 = arith.select %ge3A_57, %or3A_48, %select_n3A_45 : vector<16x1xi1>, vector<16x1xi32>
    %or3A_59 = arith.constant 268435456 : i32
    %or3A_60 = vector.broadcast %or3A_59 : i32 to vector<16x1xi32>
    %or3A_61 = arith.ori %select_n3A_58, %or3A_60 : vector<16x1xi32>
    %ge3A_62 = vector.broadcast %or3A_61 : vector<16x1xi32> to vector<16x6144xi32>
    %ge3A_63 = arith.cmpi uge, %select_n3A, %ge3A_62 : vector<16x6144xi32>
    %convert_element_type3A_64 = arith.extui %ge3A_63 : vector<16x6144xi1> to vector<16x6144xi32>
    %reduce_sum3A_65 = arith.constant dense<0> : vector<16xi32>
    %reduce_sum3A_66 = vector.multi_reduction <add>, %convert_element_type3A_64, %reduce_sum3A_65 [1] : vector<16x6144xi32> to vector<16xi32>
    %broadcast_in_dim3A_67 = vector.shape_cast %reduce_sum3A_66 : vector<16xi32> to vector<16x1xi32>
    %ge3A_68 = arith.constant 1536 : i32
    %ge3A_69 = vector.broadcast %ge3A_68 : i32 to vector<16x1xi32>
    %ge3A_70 = arith.cmpi sge, %broadcast_in_dim3A_67, %ge3A_69 : vector<16x1xi32>
    %select_n3A_71 = arith.select %ge3A_70, %or3A_61, %select_n3A_58 : vector<16x1xi1>, vector<16x1xi32>
    %or3A_72 = arith.constant 134217728 : i32
    %or3A_73 = vector.broadcast %or3A_72 : i32 to vector<16x1xi32>
    %or3A_74 = arith.ori %select_n3A_71, %or3A_73 : vector<16x1xi32>
    %ge3A_75 = vector.broadcast %or3A_74 : vector<16x1xi32> to vector<16x6144xi32>
    %ge3A_76 = arith.cmpi uge, %select_n3A, %ge3A_75 : vector<16x6144xi32>
    %convert_element_type3A_77 = arith.extui %ge3A_76 : vector<16x6144xi1> to vector<16x6144xi32>
    %reduce_sum3A_78 = arith.constant dense<0> : vector<16xi32>
    %reduce_sum3A_79 = vector.multi_reduction <add>, %convert_element_type3A_77, %reduce_sum3A_78 [1] : vector<16x6144xi32> to vector<16xi32>
    %broadcast_in_dim3A_80 = vector.shape_cast %reduce_sum3A_79 : vector<16xi32> to vector<16x1xi32>
    %ge3A_81 = arith.constant 1536 : i32
    %ge3A_82 = vector.broadcast %ge3A_81 : i32 to vector<16x1xi32>
    %ge3A_83 = arith.cmpi sge, %broadcast_in_dim3A_80, %ge3A_82 : vector<16x1xi32>
    %select_n3A_84 = arith.select %ge3A_83, %or3A_74, %select_n3A_71 : vector<16x1xi1>, vector<16x1xi32>
    %or3A_85 = arith.constant 67108864 : i32
    %or3A_86 = vector.broadcast %or3A_85 : i32 to vector<16x1xi32>
    %or3A_87 = arith.ori %select_n3A_84, %or3A_86 : vector<16x1xi32>
    %ge3A_88 = vector.broadcast %or3A_87 : vector<16x1xi32> to vector<16x6144xi32>
    %ge3A_89 = arith.cmpi uge, %select_n3A, %ge3A_88 : vector<16x6144xi32>
    %convert_element_type3A_90 = arith.extui %ge3A_89 : vector<16x6144xi1> to vector<16x6144xi32>
    %reduce_sum3A_91 = arith.constant dense<0> : vector<16xi32>
    %reduce_sum3A_92 = vector.multi_reduction <add>, %convert_element_type3A_90, %reduce_sum3A_91 [1] : vector<16x6144xi32> to vector<16xi32>
    %broadcast_in_dim3A_93 = vector.shape_cast %reduce_sum3A_92 : vector<16xi32> to vector<16x1xi32>
    %ge3A_94 = arith.constant 1536 : i32
    %ge3A_95 = vector.broadcast %ge3A_94 : i32 to vector<16x1xi32>
    %ge3A_96 = arith.cmpi sge, %broadcast_in_dim3A_93, %ge3A_95 : vector<16x1xi32>
    %select_n3A_97 = arith.select %ge3A_96, %or3A_87, %select_n3A_84 : vector<16x1xi1>, vector<16x1xi32>
    %or3A_98 = arith.constant 33554432 : i32
    %or3A_99 = vector.broadcast %or3A_98 : i32 to vector<16x1xi32>
    %or3A_100 = arith.ori %select_n3A_97, %or3A_99 : vector<16x1xi32>
    %ge3A_101 = vector.broadcast %or3A_100 : vector<16x1xi32> to vector<16x6144xi32>
    %ge3A_102 = arith.cmpi uge, %select_n3A, %ge3A_101 : vector<16x6144xi32>
    %convert_element_type3A_103 = arith.extui %ge3A_102 : vector<16x6144xi1> to vector<16x6144xi32>
    %reduce_sum3A_104 = arith.constant dense<0> : vector<16xi32>
    %reduce_sum3A_105 = vector.multi_reduction <add>, %convert_element_type3A_103, %reduce_sum3A_104 [1] : vector<16x6144xi32> to vector<16xi32>
    %broadcast_in_dim3A_106 = vector.shape_cast %reduce_sum3A_105 : vector<16xi32> to vector<16x1xi32>
    %ge3A_107 = arith.constant 1536 : i32
    %ge3A_108 = vector.broadcast %ge3A_107 : i32 to vector<16x1xi32>
    %ge3A_109 = arith.cmpi sge, %broadcast_in_dim3A_106, %ge3A_108 : vector<16x1xi32>
    %select_n3A_110 = arith.select %ge3A_109, %or3A_100, %select_n3A_97 : vector<16x1xi1>, vector<16x1xi32>
    %or3A_111 = arith.constant 16777216 : i32
    %or3A_112 = vector.broadcast %or3A_111 : i32 to vector<16x1xi32>
    %or3A_113 = arith.ori %select_n3A_110, %or3A_112 : vector<16x1xi32>
    %ge3A_114 = vector.broadcast %or3A_113 : vector<16x1xi32> to vector<16x6144xi32>
    %ge3A_115 = arith.cmpi uge, %select_n3A, %ge3A_114 : vector<16x6144xi32>
    %convert_element_type3A_116 = arith.extui %ge3A_115 : vector<16x6144xi1> to vector<16x6144xi32>
    %reduce_sum3A_117 = arith.constant dense<0> : vector<16xi32>
    %reduce_sum3A_118 = vector.multi_reduction <add>, %convert_element_type3A_116, %reduce_sum3A_117 [1] : vector<16x6144xi32> to vector<16xi32>
    %broadcast_in_dim3A_119 = vector.shape_cast %reduce_sum3A_118 : vector<16xi32> to vector<16x1xi32>
    %ge3A_120 = arith.constant 1536 : i32
    %ge3A_121 = vector.broadcast %ge3A_120 : i32 to vector<16x1xi32>
    %ge3A_122 = arith.cmpi sge, %broadcast_in_dim3A_119, %ge3A_121 : vector<16x1xi32>
    %select_n3A_123 = arith.select %ge3A_122, %or3A_113, %select_n3A_110 : vector<16x1xi1>, vector<16x1xi32>
    %or3A_124 = arith.constant 8388608 : i32
    %or3A_125 = vector.broadcast %or3A_124 : i32 to vector<16x1xi32>
    %or3A_126 = arith.ori %select_n3A_123, %or3A_125 : vector<16x1xi32>
    %ge3A_127 = vector.broadcast %or3A_126 : vector<16x1xi32> to vector<16x6144xi32>
    %ge3A_128 = arith.cmpi uge, %select_n3A, %ge3A_127 : vector<16x6144xi32>
    %convert_element_type3A_129 = arith.extui %ge3A_128 : vector<16x6144xi1> to vector<16x6144xi32>
    %reduce_sum3A_130 = arith.constant dense<0> : vector<16xi32>
    %reduce_sum3A_131 = vector.multi_reduction <add>, %convert_element_type3A_129, %reduce_sum3A_130 [1] : vector<16x6144xi32> to vector<16xi32>
    %broadcast_in_dim3A_132 = vector.shape_cast %reduce_sum3A_131 : vector<16xi32> to vector<16x1xi32>
    %ge3A_133 = arith.constant 1536 : i32
    %ge3A_134 = vector.broadcast %ge3A_133 : i32 to vector<16x1xi32>
    %ge3A_135 = arith.cmpi sge, %broadcast_in_dim3A_132, %ge3A_134 : vector<16x1xi32>
    %select_n3A_136 = arith.select %ge3A_135, %or3A_126, %select_n3A_123 : vector<16x1xi1>, vector<16x1xi32>
    %or3A_137 = arith.constant 4194304 : i32
    %or3A_138 = vector.broadcast %or3A_137 : i32 to vector<16x1xi32>
    %or3A_139 = arith.ori %select_n3A_136, %or3A_138 : vector<16x1xi32>
    %ge3A_140 = vector.broadcast %or3A_139 : vector<16x1xi32> to vector<16x6144xi32>
    %ge3A_141 = arith.cmpi uge, %select_n3A, %ge3A_140 : vector<16x6144xi32>
    %convert_element_type3A_142 = arith.extui %ge3A_141 : vector<16x6144xi1> to vector<16x6144xi32>
    %reduce_sum3A_143 = arith.constant dense<0> : vector<16xi32>
    %reduce_sum3A_144 = vector.multi_reduction <add>, %convert_element_type3A_142, %reduce_sum3A_143 [1] : vector<16x6144xi32> to vector<16xi32>
    %broadcast_in_dim3A_145 = vector.shape_cast %reduce_sum3A_144 : vector<16xi32> to vector<16x1xi32>
    %ge3A_146 = arith.constant 1536 : i32
    %ge3A_147 = vector.broadcast %ge3A_146 : i32 to vector<16x1xi32>
    %ge3A_148 = arith.cmpi sge, %broadcast_in_dim3A_145, %ge3A_147 : vector<16x1xi32>
    %select_n3A_149 = arith.select %ge3A_148, %or3A_139, %select_n3A_136 : vector<16x1xi1>, vector<16x1xi32>
    %or3A_150 = arith.constant 2097152 : i32
    %or3A_151 = vector.broadcast %or3A_150 : i32 to vector<16x1xi32>
    %or3A_152 = arith.ori %select_n3A_149, %or3A_151 : vector<16x1xi32>
    %ge3A_153 = vector.broadcast %or3A_152 : vector<16x1xi32> to vector<16x6144xi32>
    %ge3A_154 = arith.cmpi uge, %select_n3A, %ge3A_153 : vector<16x6144xi32>
    %convert_element_type3A_155 = arith.extui %ge3A_154 : vector<16x6144xi1> to vector<16x6144xi32>
    %reduce_sum3A_156 = arith.constant dense<0> : vector<16xi32>
    %reduce_sum3A_157 = vector.multi_reduction <add>, %convert_element_type3A_155, %reduce_sum3A_156 [1] : vector<16x6144xi32> to vector<16xi32>
    %broadcast_in_dim3A_158 = vector.shape_cast %reduce_sum3A_157 : vector<16xi32> to vector<16x1xi32>
    %ge3A_159 = arith.constant 1536 : i32
    %ge3A_160 = vector.broadcast %ge3A_159 : i32 to vector<16x1xi32>
    %ge3A_161 = arith.cmpi sge, %broadcast_in_dim3A_158, %ge3A_160 : vector<16x1xi32>
    %select_n3A_162 = arith.select %ge3A_161, %or3A_152, %select_n3A_149 : vector<16x1xi1>, vector<16x1xi32>
    %or3A_163 = arith.constant 1048576 : i32
    %or3A_164 = vector.broadcast %or3A_163 : i32 to vector<16x1xi32>
    %or3A_165 = arith.ori %select_n3A_162, %or3A_164 : vector<16x1xi32>
    %ge3A_166 = vector.broadcast %or3A_165 : vector<16x1xi32> to vector<16x6144xi32>
    %ge3A_167 = arith.cmpi uge, %select_n3A, %ge3A_166 : vector<16x6144xi32>
    %convert_element_type3A_168 = arith.extui %ge3A_167 : vector<16x6144xi1> to vector<16x6144xi32>
    %reduce_sum3A_169 = arith.constant dense<0> : vector<16xi32>
    %reduce_sum3A_170 = vector.multi_reduction <add>, %convert_element_type3A_168, %reduce_sum3A_169 [1] : vector<16x6144xi32> to vector<16xi32>
    %broadcast_in_dim3A_171 = vector.shape_cast %reduce_sum3A_170 : vector<16xi32> to vector<16x1xi32>
    %ge3A_172 = arith.constant 1536 : i32
    %ge3A_173 = vector.broadcast %ge3A_172 : i32 to vector<16x1xi32>
    %ge3A_174 = arith.cmpi sge, %broadcast_in_dim3A_171, %ge3A_173 : vector<16x1xi32>
    %select_n3A_175 = arith.select %ge3A_174, %or3A_165, %select_n3A_162 : vector<16x1xi1>, vector<16x1xi32>
    %or3A_176 = arith.constant 524288 : i32
    %or3A_177 = vector.broadcast %or3A_176 : i32 to vector<16x1xi32>
    %or3A_178 = arith.ori %select_n3A_175, %or3A_177 : vector<16x1xi32>
    %ge3A_179 = vector.broadcast %or3A_178 : vector<16x1xi32> to vector<16x6144xi32>
    %ge3A_180 = arith.cmpi uge, %select_n3A, %ge3A_179 : vector<16x6144xi32>
    %convert_element_type3A_181 = arith.extui %ge3A_180 : vector<16x6144xi1> to vector<16x6144xi32>
    %reduce_sum3A_182 = arith.constant dense<0> : vector<16xi32>
    %reduce_sum3A_183 = vector.multi_reduction <add>, %convert_element_type3A_181, %reduce_sum3A_182 [1] : vector<16x6144xi32> to vector<16xi32>
    %broadcast_in_dim3A_184 = vector.shape_cast %reduce_sum3A_183 : vector<16xi32> to vector<16x1xi32>
    %ge3A_185 = arith.constant 1536 : i32
    %ge3A_186 = vector.broadcast %ge3A_185 : i32 to vector<16x1xi32>
    %ge3A_187 = arith.cmpi sge, %broadcast_in_dim3A_184, %ge3A_186 : vector<16x1xi32>
    %select_n3A_188 = arith.select %ge3A_187, %or3A_178, %select_n3A_175 : vector<16x1xi1>, vector<16x1xi32>
    %or3A_189 = arith.constant 262144 : i32
    %or3A_190 = vector.broadcast %or3A_189 : i32 to vector<16x1xi32>
    %or3A_191 = arith.ori %select_n3A_188, %or3A_190 : vector<16x1xi32>
    %ge3A_192 = vector.broadcast %or3A_191 : vector<16x1xi32> to vector<16x6144xi32>
    %ge3A_193 = arith.cmpi uge, %select_n3A, %ge3A_192 : vector<16x6144xi32>
    %convert_element_type3A_194 = arith.extui %ge3A_193 : vector<16x6144xi1> to vector<16x6144xi32>
    %reduce_sum3A_195 = arith.constant dense<0> : vector<16xi32>
    %reduce_sum3A_196 = vector.multi_reduction <add>, %convert_element_type3A_194, %reduce_sum3A_195 [1] : vector<16x6144xi32> to vector<16xi32>
    %broadcast_in_dim3A_197 = vector.shape_cast %reduce_sum3A_196 : vector<16xi32> to vector<16x1xi32>
    %ge3A_198 = arith.constant 1536 : i32
    %ge3A_199 = vector.broadcast %ge3A_198 : i32 to vector<16x1xi32>
    %ge3A_200 = arith.cmpi sge, %broadcast_in_dim3A_197, %ge3A_199 : vector<16x1xi32>
    %select_n3A_201 = arith.select %ge3A_200, %or3A_191, %select_n3A_188 : vector<16x1xi1>, vector<16x1xi32>
    %or3A_202 = arith.constant 131072 : i32
    %or3A_203 = vector.broadcast %or3A_202 : i32 to vector<16x1xi32>
    %or3A_204 = arith.ori %select_n3A_201, %or3A_203 : vector<16x1xi32>
    %ge3A_205 = vector.broadcast %or3A_204 : vector<16x1xi32> to vector<16x6144xi32>
    %ge3A_206 = arith.cmpi uge, %select_n3A, %ge3A_205 : vector<16x6144xi32>
    %convert_element_type3A_207 = arith.extui %ge3A_206 : vector<16x6144xi1> to vector<16x6144xi32>
    %reduce_sum3A_208 = arith.constant dense<0> : vector<16xi32>
    %reduce_sum3A_209 = vector.multi_reduction <add>, %convert_element_type3A_207, %reduce_sum3A_208 [1] : vector<16x6144xi32> to vector<16xi32>
    %broadcast_in_dim3A_210 = vector.shape_cast %reduce_sum3A_209 : vector<16xi32> to vector<16x1xi32>
    %ge3A_211 = arith.constant 1536 : i32
    %ge3A_212 = vector.broadcast %ge3A_211 : i32 to vector<16x1xi32>
    %ge3A_213 = arith.cmpi sge, %broadcast_in_dim3A_210, %ge3A_212 : vector<16x1xi32>
    %select_n3A_214 = arith.select %ge3A_213, %or3A_204, %select_n3A_201 : vector<16x1xi1>, vector<16x1xi32>
    %or3A_215 = arith.constant 65536 : i32
    %or3A_216 = vector.broadcast %or3A_215 : i32 to vector<16x1xi32>
    %or3A_217 = arith.ori %select_n3A_214, %or3A_216 : vector<16x1xi32>
    %ge3A_218 = vector.broadcast %or3A_217 : vector<16x1xi32> to vector<16x6144xi32>
    %ge3A_219 = arith.cmpi uge, %select_n3A, %ge3A_218 : vector<16x6144xi32>
    %convert_element_type3A_220 = arith.extui %ge3A_219 : vector<16x6144xi1> to vector<16x6144xi32>
    %reduce_sum3A_221 = arith.constant dense<0> : vector<16xi32>
    %reduce_sum3A_222 = vector.multi_reduction <add>, %convert_element_type3A_220, %reduce_sum3A_221 [1] : vector<16x6144xi32> to vector<16xi32>
    %broadcast_in_dim3A_223 = vector.shape_cast %reduce_sum3A_222 : vector<16xi32> to vector<16x1xi32>
    %ge3A_224 = arith.constant 1536 : i32
    %ge3A_225 = vector.broadcast %ge3A_224 : i32 to vector<16x1xi32>
    %ge3A_226 = arith.cmpi sge, %broadcast_in_dim3A_223, %ge3A_225 : vector<16x1xi32>
    %select_n3A_227 = arith.select %ge3A_226, %or3A_217, %select_n3A_214 : vector<16x1xi1>, vector<16x1xi32>
    %or3A_228 = arith.constant 32768 : i32
    %or3A_229 = vector.broadcast %or3A_228 : i32 to vector<16x1xi32>
    %or3A_230 = arith.ori %select_n3A_227, %or3A_229 : vector<16x1xi32>
    %ge3A_231 = vector.broadcast %or3A_230 : vector<16x1xi32> to vector<16x6144xi32>
    %ge3A_232 = arith.cmpi uge, %select_n3A, %ge3A_231 : vector<16x6144xi32>
    %convert_element_type3A_233 = arith.extui %ge3A_232 : vector<16x6144xi1> to vector<16x6144xi32>
    %reduce_sum3A_234 = arith.constant dense<0> : vector<16xi32>
    %reduce_sum3A_235 = vector.multi_reduction <add>, %convert_element_type3A_233, %reduce_sum3A_234 [1] : vector<16x6144xi32> to vector<16xi32>
    %broadcast_in_dim3A_236 = vector.shape_cast %reduce_sum3A_235 : vector<16xi32> to vector<16x1xi32>
    %ge3A_237 = arith.constant 1536 : i32
    %ge3A_238 = vector.broadcast %ge3A_237 : i32 to vector<16x1xi32>
    %ge3A_239 = arith.cmpi sge, %broadcast_in_dim3A_236, %ge3A_238 : vector<16x1xi32>
    %select_n3A_240 = arith.select %ge3A_239, %or3A_230, %select_n3A_227 : vector<16x1xi1>, vector<16x1xi32>
    %or3A_241 = arith.constant 16384 : i32
    %or3A_242 = vector.broadcast %or3A_241 : i32 to vector<16x1xi32>
    %or3A_243 = arith.ori %select_n3A_240, %or3A_242 : vector<16x1xi32>
    %ge3A_244 = vector.broadcast %or3A_243 : vector<16x1xi32> to vector<16x6144xi32>
    %ge3A_245 = arith.cmpi uge, %select_n3A, %ge3A_244 : vector<16x6144xi32>
    %convert_element_type3A_246 = arith.extui %ge3A_245 : vector<16x6144xi1> to vector<16x6144xi32>
    %reduce_sum3A_247 = arith.constant dense<0> : vector<16xi32>
    %reduce_sum3A_248 = vector.multi_reduction <add>, %convert_element_type3A_246, %reduce_sum3A_247 [1] : vector<16x6144xi32> to vector<16xi32>
    %broadcast_in_dim3A_249 = vector.shape_cast %reduce_sum3A_248 : vector<16xi32> to vector<16x1xi32>
    %ge3A_250 = arith.constant 1536 : i32
    %ge3A_251 = vector.broadcast %ge3A_250 : i32 to vector<16x1xi32>
    %ge3A_252 = arith.cmpi sge, %broadcast_in_dim3A_249, %ge3A_251 : vector<16x1xi32>
    %select_n3A_253 = arith.select %ge3A_252, %or3A_243, %select_n3A_240 : vector<16x1xi1>, vector<16x1xi32>
    %or3A_254 = arith.constant 8192 : i32
    %or3A_255 = vector.broadcast %or3A_254 : i32 to vector<16x1xi32>
    %or3A_256 = arith.ori %select_n3A_253, %or3A_255 : vector<16x1xi32>
    %ge3A_257 = vector.broadcast %or3A_256 : vector<16x1xi32> to vector<16x6144xi32>
    %ge3A_258 = arith.cmpi uge, %select_n3A, %ge3A_257 : vector<16x6144xi32>
    %convert_element_type3A_259 = arith.extui %ge3A_258 : vector<16x6144xi1> to vector<16x6144xi32>
    %reduce_sum3A_260 = arith.constant dense<0> : vector<16xi32>
    %reduce_sum3A_261 = vector.multi_reduction <add>, %convert_element_type3A_259, %reduce_sum3A_260 [1] : vector<16x6144xi32> to vector<16xi32>
    %broadcast_in_dim3A_262 = vector.shape_cast %reduce_sum3A_261 : vector<16xi32> to vector<16x1xi32>
    %ge3A_263 = arith.constant 1536 : i32
    %ge3A_264 = vector.broadcast %ge3A_263 : i32 to vector<16x1xi32>
    %ge3A_265 = arith.cmpi sge, %broadcast_in_dim3A_262, %ge3A_264 : vector<16x1xi32>
    %select_n3A_266 = arith.select %ge3A_265, %or3A_256, %select_n3A_253 : vector<16x1xi1>, vector<16x1xi32>
    %or3A_267 = arith.constant 4096 : i32
    %or3A_268 = vector.broadcast %or3A_267 : i32 to vector<16x1xi32>
    %or3A_269 = arith.ori %select_n3A_266, %or3A_268 : vector<16x1xi32>
    %ge3A_270 = vector.broadcast %or3A_269 : vector<16x1xi32> to vector<16x6144xi32>
    %ge3A_271 = arith.cmpi uge, %select_n3A, %ge3A_270 : vector<16x6144xi32>
    %convert_element_type3A_272 = arith.extui %ge3A_271 : vector<16x6144xi1> to vector<16x6144xi32>
    %reduce_sum3A_273 = arith.constant dense<0> : vector<16xi32>
    %reduce_sum3A_274 = vector.multi_reduction <add>, %convert_element_type3A_272, %reduce_sum3A_273 [1] : vector<16x6144xi32> to vector<16xi32>
    %broadcast_in_dim3A_275 = vector.shape_cast %reduce_sum3A_274 : vector<16xi32> to vector<16x1xi32>
    %ge3A_276 = arith.constant 1536 : i32
    %ge3A_277 = vector.broadcast %ge3A_276 : i32 to vector<16x1xi32>
    %ge3A_278 = arith.cmpi sge, %broadcast_in_dim3A_275, %ge3A_277 : vector<16x1xi32>
    %select_n3A_279 = arith.select %ge3A_278, %or3A_269, %select_n3A_266 : vector<16x1xi1>, vector<16x1xi32>
    %or3A_280 = arith.constant 2048 : i32
    %or3A_281 = vector.broadcast %or3A_280 : i32 to vector<16x1xi32>
    %or3A_282 = arith.ori %select_n3A_279, %or3A_281 : vector<16x1xi32>
    %ge3A_283 = vector.broadcast %or3A_282 : vector<16x1xi32> to vector<16x6144xi32>
    %ge3A_284 = arith.cmpi uge, %select_n3A, %ge3A_283 : vector<16x6144xi32>
    %convert_element_type3A_285 = arith.extui %ge3A_284 : vector<16x6144xi1> to vector<16x6144xi32>
    %reduce_sum3A_286 = arith.constant dense<0> : vector<16xi32>
    %reduce_sum3A_287 = vector.multi_reduction <add>, %convert_element_type3A_285, %reduce_sum3A_286 [1] : vector<16x6144xi32> to vector<16xi32>
    %broadcast_in_dim3A_288 = vector.shape_cast %reduce_sum3A_287 : vector<16xi32> to vector<16x1xi32>
    %ge3A_289 = arith.constant 1536 : i32
    %ge3A_290 = vector.broadcast %ge3A_289 : i32 to vector<16x1xi32>
    %ge3A_291 = arith.cmpi sge, %broadcast_in_dim3A_288, %ge3A_290 : vector<16x1xi32>
    %select_n3A_292 = arith.select %ge3A_291, %or3A_282, %select_n3A_279 : vector<16x1xi1>, vector<16x1xi32>
    %or3A_293 = arith.constant 1024 : i32
    %or3A_294 = vector.broadcast %or3A_293 : i32 to vector<16x1xi32>
    %or3A_295 = arith.ori %select_n3A_292, %or3A_294 : vector<16x1xi32>
    %ge3A_296 = vector.broadcast %or3A_295 : vector<16x1xi32> to vector<16x6144xi32>
    %ge3A_297 = arith.cmpi uge, %select_n3A, %ge3A_296 : vector<16x6144xi32>
    %convert_element_type3A_298 = arith.extui %ge3A_297 : vector<16x6144xi1> to vector<16x6144xi32>
    %reduce_sum3A_299 = arith.constant dense<0> : vector<16xi32>
    %reduce_sum3A_300 = vector.multi_reduction <add>, %convert_element_type3A_298, %reduce_sum3A_299 [1] : vector<16x6144xi32> to vector<16xi32>
    %broadcast_in_dim3A_301 = vector.shape_cast %reduce_sum3A_300 : vector<16xi32> to vector<16x1xi32>
    %ge3A_302 = arith.constant 1536 : i32
    %ge3A_303 = vector.broadcast %ge3A_302 : i32 to vector<16x1xi32>
    %ge3A_304 = arith.cmpi sge, %broadcast_in_dim3A_301, %ge3A_303 : vector<16x1xi32>
    %select_n3A_305 = arith.select %ge3A_304, %or3A_295, %select_n3A_292 : vector<16x1xi1>, vector<16x1xi32>
    %or3A_306 = arith.constant 512 : i32
    %or3A_307 = vector.broadcast %or3A_306 : i32 to vector<16x1xi32>
    %or3A_308 = arith.ori %select_n3A_305, %or3A_307 : vector<16x1xi32>
    %ge3A_309 = vector.broadcast %or3A_308 : vector<16x1xi32> to vector<16x6144xi32>
    %ge3A_310 = arith.cmpi uge, %select_n3A, %ge3A_309 : vector<16x6144xi32>
    %convert_element_type3A_311 = arith.extui %ge3A_310 : vector<16x6144xi1> to vector<16x6144xi32>
    %reduce_sum3A_312 = arith.constant dense<0> : vector<16xi32>
    %reduce_sum3A_313 = vector.multi_reduction <add>, %convert_element_type3A_311, %reduce_sum3A_312 [1] : vector<16x6144xi32> to vector<16xi32>
    %broadcast_in_dim3A_314 = vector.shape_cast %reduce_sum3A_313 : vector<16xi32> to vector<16x1xi32>
    %ge3A_315 = arith.constant 1536 : i32
    %ge3A_316 = vector.broadcast %ge3A_315 : i32 to vector<16x1xi32>
    %ge3A_317 = arith.cmpi sge, %broadcast_in_dim3A_314, %ge3A_316 : vector<16x1xi32>
    %select_n3A_318 = arith.select %ge3A_317, %or3A_308, %select_n3A_305 : vector<16x1xi1>, vector<16x1xi32>
    %or3A_319 = arith.constant 256 : i32
    %or3A_320 = vector.broadcast %or3A_319 : i32 to vector<16x1xi32>
    %or3A_321 = arith.ori %select_n3A_318, %or3A_320 : vector<16x1xi32>
    %ge3A_322 = vector.broadcast %or3A_321 : vector<16x1xi32> to vector<16x6144xi32>
    %ge3A_323 = arith.cmpi uge, %select_n3A, %ge3A_322 : vector<16x6144xi32>
    %convert_element_type3A_324 = arith.extui %ge3A_323 : vector<16x6144xi1> to vector<16x6144xi32>
    %reduce_sum3A_325 = arith.constant dense<0> : vector<16xi32>
    %reduce_sum3A_326 = vector.multi_reduction <add>, %convert_element_type3A_324, %reduce_sum3A_325 [1] : vector<16x6144xi32> to vector<16xi32>
    %broadcast_in_dim3A_327 = vector.shape_cast %reduce_sum3A_326 : vector<16xi32> to vector<16x1xi32>
    %ge3A_328 = arith.constant 1536 : i32
    %ge3A_329 = vector.broadcast %ge3A_328 : i32 to vector<16x1xi32>
    %ge3A_330 = arith.cmpi sge, %broadcast_in_dim3A_327, %ge3A_329 : vector<16x1xi32>
    %select_n3A_331 = arith.select %ge3A_330, %or3A_321, %select_n3A_318 : vector<16x1xi1>, vector<16x1xi32>
    %or3A_332 = arith.constant 128 : i32
    %or3A_333 = vector.broadcast %or3A_332 : i32 to vector<16x1xi32>
    %or3A_334 = arith.ori %select_n3A_331, %or3A_333 : vector<16x1xi32>
    %ge3A_335 = vector.broadcast %or3A_334 : vector<16x1xi32> to vector<16x6144xi32>
    %ge3A_336 = arith.cmpi uge, %select_n3A, %ge3A_335 : vector<16x6144xi32>
    %convert_element_type3A_337 = arith.extui %ge3A_336 : vector<16x6144xi1> to vector<16x6144xi32>
    %reduce_sum3A_338 = arith.constant dense<0> : vector<16xi32>
    %reduce_sum3A_339 = vector.multi_reduction <add>, %convert_element_type3A_337, %reduce_sum3A_338 [1] : vector<16x6144xi32> to vector<16xi32>
    %broadcast_in_dim3A_340 = vector.shape_cast %reduce_sum3A_339 : vector<16xi32> to vector<16x1xi32>
    %ge3A_341 = arith.constant 1536 : i32
    %ge3A_342 = vector.broadcast %ge3A_341 : i32 to vector<16x1xi32>
    %ge3A_343 = arith.cmpi sge, %broadcast_in_dim3A_340, %ge3A_342 : vector<16x1xi32>
    %select_n3A_344 = arith.select %ge3A_343, %or3A_334, %select_n3A_331 : vector<16x1xi1>, vector<16x1xi32>
    %or3A_345 = arith.constant 64 : i32
    %or3A_346 = vector.broadcast %or3A_345 : i32 to vector<16x1xi32>
    %or3A_347 = arith.ori %select_n3A_344, %or3A_346 : vector<16x1xi32>
    %ge3A_348 = vector.broadcast %or3A_347 : vector<16x1xi32> to vector<16x6144xi32>
    %ge3A_349 = arith.cmpi uge, %select_n3A, %ge3A_348 : vector<16x6144xi32>
    %convert_element_type3A_350 = arith.extui %ge3A_349 : vector<16x6144xi1> to vector<16x6144xi32>
    %reduce_sum3A_351 = arith.constant dense<0> : vector<16xi32>
    %reduce_sum3A_352 = vector.multi_reduction <add>, %convert_element_type3A_350, %reduce_sum3A_351 [1] : vector<16x6144xi32> to vector<16xi32>
    %broadcast_in_dim3A_353 = vector.shape_cast %reduce_sum3A_352 : vector<16xi32> to vector<16x1xi32>
    %ge3A_354 = arith.constant 1536 : i32
    %ge3A_355 = vector.broadcast %ge3A_354 : i32 to vector<16x1xi32>
    %ge3A_356 = arith.cmpi sge, %broadcast_in_dim3A_353, %ge3A_355 : vector<16x1xi32>
    %select_n3A_357 = arith.select %ge3A_356, %or3A_347, %select_n3A_344 : vector<16x1xi1>, vector<16x1xi32>
    %or3A_358 = arith.constant 32 : i32
    %or3A_359 = vector.broadcast %or3A_358 : i32 to vector<16x1xi32>
    %or3A_360 = arith.ori %select_n3A_357, %or3A_359 : vector<16x1xi32>
    %ge3A_361 = vector.broadcast %or3A_360 : vector<16x1xi32> to vector<16x6144xi32>
    %ge3A_362 = arith.cmpi uge, %select_n3A, %ge3A_361 : vector<16x6144xi32>
    %convert_element_type3A_363 = arith.extui %ge3A_362 : vector<16x6144xi1> to vector<16x6144xi32>
    %reduce_sum3A_364 = arith.constant dense<0> : vector<16xi32>
    %reduce_sum3A_365 = vector.multi_reduction <add>, %convert_element_type3A_363, %reduce_sum3A_364 [1] : vector<16x6144xi32> to vector<16xi32>
    %broadcast_in_dim3A_366 = vector.shape_cast %reduce_sum3A_365 : vector<16xi32> to vector<16x1xi32>
    %ge3A_367 = arith.constant 1536 : i32
    %ge3A_368 = vector.broadcast %ge3A_367 : i32 to vector<16x1xi32>
    %ge3A_369 = arith.cmpi sge, %broadcast_in_dim3A_366, %ge3A_368 : vector<16x1xi32>
    %select_n3A_370 = arith.select %ge3A_369, %or3A_360, %select_n3A_357 : vector<16x1xi1>, vector<16x1xi32>
    %or3A_371 = arith.constant 16 : i32
    %or3A_372 = vector.broadcast %or3A_371 : i32 to vector<16x1xi32>
    %or3A_373 = arith.ori %select_n3A_370, %or3A_372 : vector<16x1xi32>
    %ge3A_374 = vector.broadcast %or3A_373 : vector<16x1xi32> to vector<16x6144xi32>
    %ge3A_375 = arith.cmpi uge, %select_n3A, %ge3A_374 : vector<16x6144xi32>
    %convert_element_type3A_376 = arith.extui %ge3A_375 : vector<16x6144xi1> to vector<16x6144xi32>
    %reduce_sum3A_377 = arith.constant dense<0> : vector<16xi32>
    %reduce_sum3A_378 = vector.multi_reduction <add>, %convert_element_type3A_376, %reduce_sum3A_377 [1] : vector<16x6144xi32> to vector<16xi32>
    %broadcast_in_dim3A_379 = vector.shape_cast %reduce_sum3A_378 : vector<16xi32> to vector<16x1xi32>
    %ge3A_380 = arith.constant 1536 : i32
    %ge3A_381 = vector.broadcast %ge3A_380 : i32 to vector<16x1xi32>
    %ge3A_382 = arith.cmpi sge, %broadcast_in_dim3A_379, %ge3A_381 : vector<16x1xi32>
    %select_n3A_383 = arith.select %ge3A_382, %or3A_373, %select_n3A_370 : vector<16x1xi1>, vector<16x1xi32>
    %or3A_384 = arith.constant 8 : i32
    %or3A_385 = vector.broadcast %or3A_384 : i32 to vector<16x1xi32>
    %or3A_386 = arith.ori %select_n3A_383, %or3A_385 : vector<16x1xi32>
    %ge3A_387 = vector.broadcast %or3A_386 : vector<16x1xi32> to vector<16x6144xi32>
    %ge3A_388 = arith.cmpi uge, %select_n3A, %ge3A_387 : vector<16x6144xi32>
    %convert_element_type3A_389 = arith.extui %ge3A_388 : vector<16x6144xi1> to vector<16x6144xi32>
    %reduce_sum3A_390 = arith.constant dense<0> : vector<16xi32>
    %reduce_sum3A_391 = vector.multi_reduction <add>, %convert_element_type3A_389, %reduce_sum3A_390 [1] : vector<16x6144xi32> to vector<16xi32>
    %broadcast_in_dim3A_392 = vector.shape_cast %reduce_sum3A_391 : vector<16xi32> to vector<16x1xi32>
    %ge3A_393 = arith.constant 1536 : i32
    %ge3A_394 = vector.broadcast %ge3A_393 : i32 to vector<16x1xi32>
    %ge3A_395 = arith.cmpi sge, %broadcast_in_dim3A_392, %ge3A_394 : vector<16x1xi32>
    %select_n3A_396 = arith.select %ge3A_395, %or3A_386, %select_n3A_383 : vector<16x1xi1>, vector<16x1xi32>
    %or3A_397 = arith.constant 4 : i32
    %or3A_398 = vector.broadcast %or3A_397 : i32 to vector<16x1xi32>
    %or3A_399 = arith.ori %select_n3A_396, %or3A_398 : vector<16x1xi32>
    %ge3A_400 = vector.broadcast %or3A_399 : vector<16x1xi32> to vector<16x6144xi32>
    %ge3A_401 = arith.cmpi uge, %select_n3A, %ge3A_400 : vector<16x6144xi32>
    %convert_element_type3A_402 = arith.extui %ge3A_401 : vector<16x6144xi1> to vector<16x6144xi32>
    %reduce_sum3A_403 = arith.constant dense<0> : vector<16xi32>
    %reduce_sum3A_404 = vector.multi_reduction <add>, %convert_element_type3A_402, %reduce_sum3A_403 [1] : vector<16x6144xi32> to vector<16xi32>
    %broadcast_in_dim3A_405 = vector.shape_cast %reduce_sum3A_404 : vector<16xi32> to vector<16x1xi32>
    %ge3A_406 = arith.constant 1536 : i32
    %ge3A_407 = vector.broadcast %ge3A_406 : i32 to vector<16x1xi32>
    %ge3A_408 = arith.cmpi sge, %broadcast_in_dim3A_405, %ge3A_407 : vector<16x1xi32>
    %select_n3A_409 = arith.select %ge3A_408, %or3A_399, %select_n3A_396 : vector<16x1xi1>, vector<16x1xi32>
    %or3A_410 = arith.constant 2 : i32
    %or3A_411 = vector.broadcast %or3A_410 : i32 to vector<16x1xi32>
    %or3A_412 = arith.ori %select_n3A_409, %or3A_411 : vector<16x1xi32>
    %ge3A_413 = vector.broadcast %or3A_412 : vector<16x1xi32> to vector<16x6144xi32>
    %ge3A_414 = arith.cmpi uge, %select_n3A, %ge3A_413 : vector<16x6144xi32>
    %convert_element_type3A_415 = arith.extui %ge3A_414 : vector<16x6144xi1> to vector<16x6144xi32>
    %reduce_sum3A_416 = arith.constant dense<0> : vector<16xi32>
    %reduce_sum3A_417 = vector.multi_reduction <add>, %convert_element_type3A_415, %reduce_sum3A_416 [1] : vector<16x6144xi32> to vector<16xi32>
    %broadcast_in_dim3A_418 = vector.shape_cast %reduce_sum3A_417 : vector<16xi32> to vector<16x1xi32>
    %ge3A_419 = arith.constant 1536 : i32
    %ge3A_420 = vector.broadcast %ge3A_419 : i32 to vector<16x1xi32>
    %ge3A_421 = arith.cmpi sge, %broadcast_in_dim3A_418, %ge3A_420 : vector<16x1xi32>
    %select_n3A_422 = arith.select %ge3A_421, %or3A_412, %select_n3A_409 : vector<16x1xi1>, vector<16x1xi32>
    %or3A_423 = arith.constant 1 : i32
    %or3A_424 = vector.broadcast %or3A_423 : i32 to vector<16x1xi32>
    %or3A_425 = arith.ori %select_n3A_422, %or3A_424 : vector<16x1xi32>
    %ge3A_426 = vector.broadcast %or3A_425 : vector<16x1xi32> to vector<16x6144xi32>
    %ge3A_427 = arith.cmpi uge, %select_n3A, %ge3A_426 : vector<16x6144xi32>
    %convert_element_type3A_428 = arith.extui %ge3A_427 : vector<16x6144xi1> to vector<16x6144xi32>
    %reduce_sum3A_429 = arith.constant dense<0> : vector<16xi32>
    %reduce_sum3A_430 = vector.multi_reduction <add>, %convert_element_type3A_428, %reduce_sum3A_429 [1] : vector<16x6144xi32> to vector<16xi32>
    %broadcast_in_dim3A_431 = vector.shape_cast %reduce_sum3A_430 : vector<16xi32> to vector<16x1xi32>
    %ge3A_432 = arith.constant 1536 : i32
    %ge3A_433 = vector.broadcast %ge3A_432 : i32 to vector<16x1xi32>
    %ge3A_434 = arith.cmpi sge, %broadcast_in_dim3A_431, %ge3A_433 : vector<16x1xi32>
    %select_n3A_435 = arith.select %ge3A_434, %or3A_425, %select_n3A_422 : vector<16x1xi1>, vector<16x1xi32>
    %gt3A = vector.broadcast %select_n3A_435 : vector<16x1xi32> to vector<16x6144xi32>
    %gt3A_436 = arith.cmpi ugt, %select_n3A, %gt3A : vector<16x6144xi32>
    %convert_element_type3A_437 = arith.extui %gt3A_436 : vector<16x6144xi1> to vector<16x6144xi32>
    %reduce_sum3A_438 = arith.constant dense<0> : vector<16xi32>
    %reduce_sum3A_439 = vector.multi_reduction <add>, %convert_element_type3A_437, %reduce_sum3A_438 [1] : vector<16x6144xi32> to vector<16xi32>
    %broadcast_in_dim3A_440 = vector.shape_cast %reduce_sum3A_439 : vector<16xi32> to vector<16x1xi32>
    %sub3A = arith.constant 1536 : i32
    %sub3A_441 = vector.broadcast %sub3A : i32 to vector<16x1xi32>
    %sub3A_442 = arith.subi %sub3A_441, %broadcast_in_dim3A_440 : vector<16x1xi32>
    %eq3A = vector.broadcast %select_n3A_435 : vector<16x1xi32> to vector<16x6144xi32>
    %eq3A_443 = arith.cmpi eq, %select_n3A, %eq3A : vector<16x6144xi32>
    %iota3A = tpu.iota {dimensions = array<i32: 1>} : vector<16x6144xi32>
    %broadcast_in_dim3A_444 = arith.constant 8191 : i32
    %broadcast_in_dim3A_445 = vector.broadcast %broadcast_in_dim3A_444 : i32 to vector<16x1xi32>
    %and3A = arith.constant -4097 : i32
    %and3A_446 = vector.broadcast %and3A : i32 to vector<16x1xi32>
    %and3A_447 = arith.andi %broadcast_in_dim3A_445, %and3A_446 : vector<16x1xi32>
    %le3A = vector.broadcast %and3A_447 : vector<16x1xi32> to vector<16x6144xi32>
    %le3A_448 = arith.cmpi sle, %iota3A, %le3A : vector<16x6144xi32>
    %and3A_449 = arith.andi %eq3A_443, %le3A_448 : vector<16x6144xi1>
    %convert_element_type3A_450 = arith.extui %and3A_449 : vector<16x6144xi1> to vector<16x6144xi32>
    %reduce_sum3A_451 = arith.constant dense<0> : vector<16xi32>
    %reduce_sum3A_452 = vector.multi_reduction <add>, %convert_element_type3A_450, %reduce_sum3A_451 [1] : vector<16x6144xi32> to vector<16xi32>
    %broadcast_in_dim3A_453 = vector.shape_cast %reduce_sum3A_452 : vector<16xi32> to vector<16x1xi32>
    %ge3A_454 = arith.cmpi sge, %broadcast_in_dim3A_453, %sub3A_442 : vector<16x1xi32>
    %select_n3A_455 = arith.select %ge3A_454, %and3A_447, %broadcast_in_dim3A_445 : vector<16x1xi1>, vector<16x1xi32>
    %and3A_456 = arith.constant -2049 : i32
    %and3A_457 = vector.broadcast %and3A_456 : i32 to vector<16x1xi32>
    %and3A_458 = arith.andi %select_n3A_455, %and3A_457 : vector<16x1xi32>
    %le3A_459 = vector.broadcast %and3A_458 : vector<16x1xi32> to vector<16x6144xi32>
    %le3A_460 = arith.cmpi sle, %iota3A, %le3A_459 : vector<16x6144xi32>
    %and3A_461 = arith.andi %eq3A_443, %le3A_460 : vector<16x6144xi1>
    %convert_element_type3A_462 = arith.extui %and3A_461 : vector<16x6144xi1> to vector<16x6144xi32>
    %reduce_sum3A_463 = arith.constant dense<0> : vector<16xi32>
    %reduce_sum3A_464 = vector.multi_reduction <add>, %convert_element_type3A_462, %reduce_sum3A_463 [1] : vector<16x6144xi32> to vector<16xi32>
    %broadcast_in_dim3A_465 = vector.shape_cast %reduce_sum3A_464 : vector<16xi32> to vector<16x1xi32>
    %ge3A_466 = arith.cmpi sge, %broadcast_in_dim3A_465, %sub3A_442 : vector<16x1xi32>
    %select_n3A_467 = arith.select %ge3A_466, %and3A_458, %select_n3A_455 : vector<16x1xi1>, vector<16x1xi32>
    %and3A_468 = arith.constant -1025 : i32
    %and3A_469 = vector.broadcast %and3A_468 : i32 to vector<16x1xi32>
    %and3A_470 = arith.andi %select_n3A_467, %and3A_469 : vector<16x1xi32>
    %le3A_471 = vector.broadcast %and3A_470 : vector<16x1xi32> to vector<16x6144xi32>
    %le3A_472 = arith.cmpi sle, %iota3A, %le3A_471 : vector<16x6144xi32>
    %and3A_473 = arith.andi %eq3A_443, %le3A_472 : vector<16x6144xi1>
    %convert_element_type3A_474 = arith.extui %and3A_473 : vector<16x6144xi1> to vector<16x6144xi32>
    %reduce_sum3A_475 = arith.constant dense<0> : vector<16xi32>
    %reduce_sum3A_476 = vector.multi_reduction <add>, %convert_element_type3A_474, %reduce_sum3A_475 [1] : vector<16x6144xi32> to vector<16xi32>
    %broadcast_in_dim3A_477 = vector.shape_cast %reduce_sum3A_476 : vector<16xi32> to vector<16x1xi32>
    %ge3A_478 = arith.cmpi sge, %broadcast_in_dim3A_477, %sub3A_442 : vector<16x1xi32>
    %select_n3A_479 = arith.select %ge3A_478, %and3A_470, %select_n3A_467 : vector<16x1xi1>, vector<16x1xi32>
    %and3A_480 = arith.constant -513 : i32
    %and3A_481 = vector.broadcast %and3A_480 : i32 to vector<16x1xi32>
    %and3A_482 = arith.andi %select_n3A_479, %and3A_481 : vector<16x1xi32>
    %le3A_483 = vector.broadcast %and3A_482 : vector<16x1xi32> to vector<16x6144xi32>
    %le3A_484 = arith.cmpi sle, %iota3A, %le3A_483 : vector<16x6144xi32>
    %and3A_485 = arith.andi %eq3A_443, %le3A_484 : vector<16x6144xi1>
    %convert_element_type3A_486 = arith.extui %and3A_485 : vector<16x6144xi1> to vector<16x6144xi32>
    %reduce_sum3A_487 = arith.constant dense<0> : vector<16xi32>
    %reduce_sum3A_488 = vector.multi_reduction <add>, %convert_element_type3A_486, %reduce_sum3A_487 [1] : vector<16x6144xi32> to vector<16xi32>
    %broadcast_in_dim3A_489 = vector.shape_cast %reduce_sum3A_488 : vector<16xi32> to vector<16x1xi32>
    %ge3A_490 = arith.cmpi sge, %broadcast_in_dim3A_489, %sub3A_442 : vector<16x1xi32>
    %select_n3A_491 = arith.select %ge3A_490, %and3A_482, %select_n3A_479 : vector<16x1xi1>, vector<16x1xi32>
    %and3A_492 = arith.constant -257 : i32
    %and3A_493 = vector.broadcast %and3A_492 : i32 to vector<16x1xi32>
    %and3A_494 = arith.andi %select_n3A_491, %and3A_493 : vector<16x1xi32>
    %le3A_495 = vector.broadcast %and3A_494 : vector<16x1xi32> to vector<16x6144xi32>
    %le3A_496 = arith.cmpi sle, %iota3A, %le3A_495 : vector<16x6144xi32>
    %and3A_497 = arith.andi %eq3A_443, %le3A_496 : vector<16x6144xi1>
    %convert_element_type3A_498 = arith.extui %and3A_497 : vector<16x6144xi1> to vector<16x6144xi32>
    %reduce_sum3A_499 = arith.constant dense<0> : vector<16xi32>
    %reduce_sum3A_500 = vector.multi_reduction <add>, %convert_element_type3A_498, %reduce_sum3A_499 [1] : vector<16x6144xi32> to vector<16xi32>
    %broadcast_in_dim3A_501 = vector.shape_cast %reduce_sum3A_500 : vector<16xi32> to vector<16x1xi32>
    %ge3A_502 = arith.cmpi sge, %broadcast_in_dim3A_501, %sub3A_442 : vector<16x1xi32>
    %select_n3A_503 = arith.select %ge3A_502, %and3A_494, %select_n3A_491 : vector<16x1xi1>, vector<16x1xi32>
    %and3A_504 = arith.constant -129 : i32
    %and3A_505 = vector.broadcast %and3A_504 : i32 to vector<16x1xi32>
    %and3A_506 = arith.andi %select_n3A_503, %and3A_505 : vector<16x1xi32>
    %le3A_507 = vector.broadcast %and3A_506 : vector<16x1xi32> to vector<16x6144xi32>
    %le3A_508 = arith.cmpi sle, %iota3A, %le3A_507 : vector<16x6144xi32>
    %and3A_509 = arith.andi %eq3A_443, %le3A_508 : vector<16x6144xi1>
    %convert_element_type3A_510 = arith.extui %and3A_509 : vector<16x6144xi1> to vector<16x6144xi32>
    %reduce_sum3A_511 = arith.constant dense<0> : vector<16xi32>
    %reduce_sum3A_512 = vector.multi_reduction <add>, %convert_element_type3A_510, %reduce_sum3A_511 [1] : vector<16x6144xi32> to vector<16xi32>
    %broadcast_in_dim3A_513 = vector.shape_cast %reduce_sum3A_512 : vector<16xi32> to vector<16x1xi32>
    %ge3A_514 = arith.cmpi sge, %broadcast_in_dim3A_513, %sub3A_442 : vector<16x1xi32>
    %select_n3A_515 = arith.select %ge3A_514, %and3A_506, %select_n3A_503 : vector<16x1xi1>, vector<16x1xi32>
    %and3A_516 = arith.constant -65 : i32
    %and3A_517 = vector.broadcast %and3A_516 : i32 to vector<16x1xi32>
    %and3A_518 = arith.andi %select_n3A_515, %and3A_517 : vector<16x1xi32>
    %le3A_519 = vector.broadcast %and3A_518 : vector<16x1xi32> to vector<16x6144xi32>
    %le3A_520 = arith.cmpi sle, %iota3A, %le3A_519 : vector<16x6144xi32>
    %and3A_521 = arith.andi %eq3A_443, %le3A_520 : vector<16x6144xi1>
    %convert_element_type3A_522 = arith.extui %and3A_521 : vector<16x6144xi1> to vector<16x6144xi32>
    %reduce_sum3A_523 = arith.constant dense<0> : vector<16xi32>
    %reduce_sum3A_524 = vector.multi_reduction <add>, %convert_element_type3A_522, %reduce_sum3A_523 [1] : vector<16x6144xi32> to vector<16xi32>
    %broadcast_in_dim3A_525 = vector.shape_cast %reduce_sum3A_524 : vector<16xi32> to vector<16x1xi32>
    %ge3A_526 = arith.cmpi sge, %broadcast_in_dim3A_525, %sub3A_442 : vector<16x1xi32>
    %select_n3A_527 = arith.select %ge3A_526, %and3A_518, %select_n3A_515 : vector<16x1xi1>, vector<16x1xi32>
    %and3A_528 = arith.constant -33 : i32
    %and3A_529 = vector.broadcast %and3A_528 : i32 to vector<16x1xi32>
    %and3A_530 = arith.andi %select_n3A_527, %and3A_529 : vector<16x1xi32>
    %le3A_531 = vector.broadcast %and3A_530 : vector<16x1xi32> to vector<16x6144xi32>
    %le3A_532 = arith.cmpi sle, %iota3A, %le3A_531 : vector<16x6144xi32>
    %and3A_533 = arith.andi %eq3A_443, %le3A_532 : vector<16x6144xi1>
    %convert_element_type3A_534 = arith.extui %and3A_533 : vector<16x6144xi1> to vector<16x6144xi32>
    %reduce_sum3A_535 = arith.constant dense<0> : vector<16xi32>
    %reduce_sum3A_536 = vector.multi_reduction <add>, %convert_element_type3A_534, %reduce_sum3A_535 [1] : vector<16x6144xi32> to vector<16xi32>
    %broadcast_in_dim3A_537 = vector.shape_cast %reduce_sum3A_536 : vector<16xi32> to vector<16x1xi32>
    %ge3A_538 = arith.cmpi sge, %broadcast_in_dim3A_537, %sub3A_442 : vector<16x1xi32>
    %select_n3A_539 = arith.select %ge3A_538, %and3A_530, %select_n3A_527 : vector<16x1xi1>, vector<16x1xi32>
    %and3A_540 = arith.constant -17 : i32
    %and3A_541 = vector.broadcast %and3A_540 : i32 to vector<16x1xi32>
    %and3A_542 = arith.andi %select_n3A_539, %and3A_541 : vector<16x1xi32>
    %le3A_543 = vector.broadcast %and3A_542 : vector<16x1xi32> to vector<16x6144xi32>
    %le3A_544 = arith.cmpi sle, %iota3A, %le3A_543 : vector<16x6144xi32>
    %and3A_545 = arith.andi %eq3A_443, %le3A_544 : vector<16x6144xi1>
    %convert_element_type3A_546 = arith.extui %and3A_545 : vector<16x6144xi1> to vector<16x6144xi32>
    %reduce_sum3A_547 = arith.constant dense<0> : vector<16xi32>
    %reduce_sum3A_548 = vector.multi_reduction <add>, %convert_element_type3A_546, %reduce_sum3A_547 [1] : vector<16x6144xi32> to vector<16xi32>
    %broadcast_in_dim3A_549 = vector.shape_cast %reduce_sum3A_548 : vector<16xi32> to vector<16x1xi32>
    %ge3A_550 = arith.cmpi sge, %broadcast_in_dim3A_549, %sub3A_442 : vector<16x1xi32>
    %select_n3A_551 = arith.select %ge3A_550, %and3A_542, %select_n3A_539 : vector<16x1xi1>, vector<16x1xi32>
    %and3A_552 = arith.constant -9 : i32
    %and3A_553 = vector.broadcast %and3A_552 : i32 to vector<16x1xi32>
    %and3A_554 = arith.andi %select_n3A_551, %and3A_553 : vector<16x1xi32>
    %le3A_555 = vector.broadcast %and3A_554 : vector<16x1xi32> to vector<16x6144xi32>
    %le3A_556 = arith.cmpi sle, %iota3A, %le3A_555 : vector<16x6144xi32>
    %and3A_557 = arith.andi %eq3A_443, %le3A_556 : vector<16x6144xi1>
    %convert_element_type3A_558 = arith.extui %and3A_557 : vector<16x6144xi1> to vector<16x6144xi32>
    %reduce_sum3A_559 = arith.constant dense<0> : vector<16xi32>
    %reduce_sum3A_560 = vector.multi_reduction <add>, %convert_element_type3A_558, %reduce_sum3A_559 [1] : vector<16x6144xi32> to vector<16xi32>
    %broadcast_in_dim3A_561 = vector.shape_cast %reduce_sum3A_560 : vector<16xi32> to vector<16x1xi32>
    %ge3A_562 = arith.cmpi sge, %broadcast_in_dim3A_561, %sub3A_442 : vector<16x1xi32>
    %select_n3A_563 = arith.select %ge3A_562, %and3A_554, %select_n3A_551 : vector<16x1xi1>, vector<16x1xi32>
    %and3A_564 = arith.constant -5 : i32
    %and3A_565 = vector.broadcast %and3A_564 : i32 to vector<16x1xi32>
    %and3A_566 = arith.andi %select_n3A_563, %and3A_565 : vector<16x1xi32>
    %le3A_567 = vector.broadcast %and3A_566 : vector<16x1xi32> to vector<16x6144xi32>
    %le3A_568 = arith.cmpi sle, %iota3A, %le3A_567 : vector<16x6144xi32>
    %and3A_569 = arith.andi %eq3A_443, %le3A_568 : vector<16x6144xi1>
    %convert_element_type3A_570 = arith.extui %and3A_569 : vector<16x6144xi1> to vector<16x6144xi32>
    %reduce_sum3A_571 = arith.constant dense<0> : vector<16xi32>
    %reduce_sum3A_572 = vector.multi_reduction <add>, %convert_element_type3A_570, %reduce_sum3A_571 [1] : vector<16x6144xi32> to vector<16xi32>
    %broadcast_in_dim3A_573 = vector.shape_cast %reduce_sum3A_572 : vector<16xi32> to vector<16x1xi32>
    %ge3A_574 = arith.cmpi sge, %broadcast_in_dim3A_573, %sub3A_442 : vector<16x1xi32>
    %select_n3A_575 = arith.select %ge3A_574, %and3A_566, %select_n3A_563 : vector<16x1xi1>, vector<16x1xi32>
    %and3A_576 = arith.constant -3 : i32
    %and3A_577 = vector.broadcast %and3A_576 : i32 to vector<16x1xi32>
    %and3A_578 = arith.andi %select_n3A_575, %and3A_577 : vector<16x1xi32>
    %le3A_579 = vector.broadcast %and3A_578 : vector<16x1xi32> to vector<16x6144xi32>
    %le3A_580 = arith.cmpi sle, %iota3A, %le3A_579 : vector<16x6144xi32>
    %and3A_581 = arith.andi %eq3A_443, %le3A_580 : vector<16x6144xi1>
    %convert_element_type3A_582 = arith.extui %and3A_581 : vector<16x6144xi1> to vector<16x6144xi32>
    %reduce_sum3A_583 = arith.constant dense<0> : vector<16xi32>
    %reduce_sum3A_584 = vector.multi_reduction <add>, %convert_element_type3A_582, %reduce_sum3A_583 [1] : vector<16x6144xi32> to vector<16xi32>
    %broadcast_in_dim3A_585 = vector.shape_cast %reduce_sum3A_584 : vector<16xi32> to vector<16x1xi32>
    %ge3A_586 = arith.cmpi sge, %broadcast_in_dim3A_585, %sub3A_442 : vector<16x1xi32>
    %select_n3A_587 = arith.select %ge3A_586, %and3A_578, %select_n3A_575 : vector<16x1xi1>, vector<16x1xi32>
    %and3A_588 = arith.constant -2 : i32
    %and3A_589 = vector.broadcast %and3A_588 : i32 to vector<16x1xi32>
    %and3A_590 = arith.andi %select_n3A_587, %and3A_589 : vector<16x1xi32>
    %le3A_591 = vector.broadcast %and3A_590 : vector<16x1xi32> to vector<16x6144xi32>
    %le3A_592 = arith.cmpi sle, %iota3A, %le3A_591 : vector<16x6144xi32>
    %and3A_593 = arith.andi %eq3A_443, %le3A_592 : vector<16x6144xi1>
    %convert_element_type3A_594 = arith.extui %and3A_593 : vector<16x6144xi1> to vector<16x6144xi32>
    %reduce_sum3A_595 = arith.constant dense<0> : vector<16xi32>
    %reduce_sum3A_596 = vector.multi_reduction <add>, %convert_element_type3A_594, %reduce_sum3A_595 [1] : vector<16x6144xi32> to vector<16xi32>
    %broadcast_in_dim3A_597 = vector.shape_cast %reduce_sum3A_596 : vector<16xi32> to vector<16x1xi32>
    %ge3A_598 = arith.cmpi sge, %broadcast_in_dim3A_597, %sub3A_442 : vector<16x1xi32>
    %select_n3A_599 = arith.select %ge3A_598, %and3A_590, %select_n3A_587 : vector<16x1xi1>, vector<16x1xi32>
    %gt3A_600 = vector.broadcast %select_n3A_435 : vector<16x1xi32> to vector<16x6144xi32>
    %gt3A_601 = arith.cmpi ugt, %select_n3A, %gt3A_600 : vector<16x6144xi32>
    %le3A_602 = vector.broadcast %select_n3A_599 : vector<16x1xi32> to vector<16x6144xi32>
    %le3A_603 = arith.cmpi sle, %iota3A, %le3A_602 : vector<16x6144xi32>
    %and3A_604 = arith.andi %eq3A_443, %le3A_603 : vector<16x6144xi1>
    %or3A_605 = arith.ori %gt3A_601, %and3A_604 : vector<16x6144xi1>
    %convert_element_type3A_606 = arith.extui %or3A_605 : vector<16x6144xi1> to vector<16x6144xi32>
    %convert_element_type3A_607 = arith.sitofp %convert_element_type3A_606 : vector<16x6144xi32> to vector<16x6144xf32>
    %broadcast_in_dim3A_608 = arith.constant 1.000000e+00 : f32
    %broadcast_in_dim3A_609 = vector.broadcast %broadcast_in_dim3A_608 : f32 to vector<16x512xf32>
    %concatenate3A = tpu.concatenate %convert_element_type3A_607, %broadcast_in_dim3A_609 in 1 : vector<16x6144xf32>, vector<16x512xf32> -> vector<16x6656xf32>
    %broadcast_in_dim3A_610 = vector.shape_cast %get3A_5 : vector<16x6656xf32> to vector<1x16x6656xf32>
    %broadcast_in_dim3A_611 = vector.shape_cast %concatenate3A : vector<16x6656xf32> to vector<1x16x6656xf32>
    %abs3A_612 = math.absf %get3A_2 : vector<3x16x6656xf32>
    %neg3A_613 = arith.constant 0.000000e+00 : f32
    %neg3A_614 = vector.broadcast %neg3A_613 : f32 to vector<3x16x6656xf32>
    %neg3A_615 = arith.subf %neg3A_614, %abs3A_612 : vector<3x16x6656xf32>
    %exp3A = math.exp %neg3A_615 : vector<3x16x6656xf32>
    %add3A_616 = arith.constant 1.000000e+00 : f32
    %add3A_617 = vector.broadcast %add3A_616 : f32 to vector<3x16x6656xf32>
    %add3A_618 = arith.addf %add3A_617, %exp3A : vector<3x16x6656xf32>
    %div3A_619 = arith.constant 1.000000e+00 : f32
    %div3A_620 = vector.broadcast %div3A_619 : f32 to vector<3x16x6656xf32>
    %div3A_621 = arith.divf %div3A_620, %add3A_618 : vector<3x16x6656xf32>
    %ge3A_622 = arith.constant 0.000000e+00 : f32
    %ge3A_623 = vector.broadcast %ge3A_622 : f32 to vector<3x16x6656xf32>
    %ge3A_624 = arith.cmpf oge, %get3A_2, %ge3A_623 : vector<3x16x6656xf32>
    %mul3A = arith.mulf %exp3A, %div3A_621 : vector<3x16x6656xf32>
    %select_n3A_625 = arith.select %ge3A_624, %div3A_621, %mul3A : vector<3x16x6656xi1>, vector<3x16x6656xf32>
    %max3A = arith.constant 0.000000e+00 : f32
    %max3A_626 = vector.broadcast %max3A : f32 to vector<3x16x6656xf32>
    %max3A_627 = arith.maximumf %get3A_2, %max3A_626 : vector<3x16x6656xf32>
    %mul3A_628 = vector.broadcast %broadcast_in_dim3A_610 : vector<1x16x6656xf32> to vector<3x16x6656xf32>
    %mul3A_629 = arith.mulf %get3A_2, %mul3A_628 : vector<3x16x6656xf32>
    %sub3A_630 = arith.subf %max3A_627, %mul3A_629 : vector<3x16x6656xf32>
    %log1p3A = math.log1p %exp3A : vector<3x16x6656xf32>
    %add3A_631 = arith.addf %sub3A_630, %log1p3A : vector<3x16x6656xf32>
    %sub3A_632 = arith.constant 1.000000e+00 : f32
    %sub3A_633 = vector.broadcast %sub3A_632 : f32 to vector<3x16x6656xf32>
    %sub3A_634 = arith.subf %sub3A_633, %select_n3A_625 : vector<3x16x6656xf32>
    %mul3A_635 = vector.broadcast %broadcast_in_dim3A_610 : vector<1x16x6656xf32> to vector<3x16x6656xf32>
    %mul3A_636 = arith.mulf %mul3A_635, %sub3A_634 : vector<3x16x6656xf32>
    %sub3A_637 = arith.constant 1.000000e+00 : f32
    %sub3A_638 = vector.broadcast %sub3A_637 : f32 to vector<1x16x6656xf32>
    %sub3A_639 = arith.subf %sub3A_638, %broadcast_in_dim3A_610 : vector<1x16x6656xf32>
    %mul3A_640 = vector.broadcast %sub3A_639 : vector<1x16x6656xf32> to vector<3x16x6656xf32>
    %mul3A_641 = arith.mulf %mul3A_640, %select_n3A_625 : vector<3x16x6656xf32>
    %add3A_642 = arith.addf %mul3A_636, %mul3A_641 : vector<3x16x6656xf32>
    %mul3A_643 = arith.constant 2.500000e-01 : f32
    %mul3A_644 = vector.broadcast %mul3A_643 : f32 to vector<1x16x6656xf32>
    %mul3A_645 = arith.mulf %mul3A_644, %broadcast_in_dim3A_610 : vector<1x16x6656xf32>
    %sub3A_646 = arith.constant 1.000000e+00 : f32
    %sub3A_647 = vector.broadcast %sub3A_646 : f32 to vector<1x16x6656xf32>
    %sub3A_648 = arith.subf %sub3A_647, %broadcast_in_dim3A_610 : vector<1x16x6656xf32>
    %mul3A_649 = arith.constant 7.500000e-01 : f32
    %mul3A_650 = vector.broadcast %mul3A_649 : f32 to vector<1x16x6656xf32>
    %mul3A_651 = arith.mulf %mul3A_650, %sub3A_648 : vector<1x16x6656xf32>
    %add3A_652 = arith.addf %mul3A_645, %mul3A_651 : vector<1x16x6656xf32>
    %mul3A_653 = vector.broadcast %add3A_652 : vector<1x16x6656xf32> to vector<3x16x6656xf32>
    %mul3A_654 = arith.mulf %mul3A_653, %add3A_631 : vector<3x16x6656xf32>
    %mul3A_655 = arith.mulf %mul3A_654, %add3A_642 : vector<3x16x6656xf32>
    %mul3A_656 = arith.mulf %mul3A_655, %add3A_642 : vector<3x16x6656xf32>
    %mul3A_657 = vector.broadcast %broadcast_in_dim3A_611 : vector<1x16x6656xf32> to vector<3x16x6656xf32>
    %mul3A_658 = arith.mulf %mul3A_656, %mul3A_657 : vector<3x16x6656xf32>
    %reduce_sum3A_659 = arith.constant dense<0.000000e+00> : vector<3x16xf32>
    %reduce_sum3A_660 = vector.multi_reduction <add>, %mul3A_658, %reduce_sum3A_659 [2] : vector<3x16x6656xf32> to vector<3x16xf32>
    %div3A_661 = arith.constant 3.276800e+04 : f32
    %div3A_662 = vector.broadcast %div3A_661 : f32 to vector<3x16xf32>
    %div3A_663 = arith.divf %reduce_sum3A_660, %div3A_662 : vector<3x16xf32>
    %mul3A_664 = vector.broadcast %broadcast_in_dim3A_610 : vector<1x16x6656xf32> to vector<3x16x6656xf32>
    %mul3A_665 = arith.mulf %select_n3A_625, %mul3A_664 : vector<3x16x6656xf32>
    %mul3A_666 = vector.broadcast %broadcast_in_dim3A_611 : vector<1x16x6656xf32> to vector<3x16x6656xf32>
    %mul3A_667 = arith.mulf %mul3A_665, %mul3A_666 : vector<3x16x6656xf32>
    %reduce_sum3A_668 = arith.constant dense<0.000000e+00> : vector<3x16xf32>
    %reduce_sum3A_669 = vector.multi_reduction <add>, %mul3A_667, %reduce_sum3A_668 [2] : vector<3x16x6656xf32> to vector<3x16xf32>
    %mul3A_670 = arith.constant 2.000000e+00 : f32
    %mul3A_671 = vector.broadcast %mul3A_670 : f32 to vector<3x16xf32>
    %mul3A_672 = arith.mulf %mul3A_671, %reduce_sum3A_669 : vector<3x16xf32>
    %mul3A_673 = vector.broadcast %broadcast_in_dim3A_611 : vector<1x16x6656xf32> to vector<3x16x6656xf32>
    %mul3A_674 = arith.mulf %select_n3A_625, %mul3A_673 : vector<3x16x6656xf32>
    %reduce_sum3A_675 = arith.constant dense<0.000000e+00> : vector<3x16xf32>
    %reduce_sum3A_676 = vector.multi_reduction <add>, %mul3A_674, %reduce_sum3A_675 [2] : vector<3x16x6656xf32> to vector<3x16xf32>
    %mul3A_677 = arith.mulf %broadcast_in_dim3A_610, %broadcast_in_dim3A_611 : vector<1x16x6656xf32>
    %reduce_sum3A_678 = arith.constant dense<0.000000e+00> : vector<1x16xf32>
    %reduce_sum3A_679 = vector.multi_reduction <add>, %mul3A_677, %reduce_sum3A_678 [2] : vector<1x16x6656xf32> to vector<1x16xf32>
    %add3A_680 = vector.broadcast %reduce_sum3A_679 : vector<1x16xf32> to vector<3x16xf32>
    %add3A_681 = arith.addf %reduce_sum3A_676, %add3A_680 : vector<3x16xf32>
    %add3A_682 = arith.constant 1.000000e+00 : f32
    %add3A_683 = vector.broadcast %add3A_682 : f32 to vector<3x16xf32>
    %add3A_684 = arith.addf %mul3A_672, %add3A_683 : vector<3x16xf32>
    %add3A_685 = arith.constant 1.000000e+00 : f32
    %add3A_686 = vector.broadcast %add3A_685 : f32 to vector<3x16xf32>
    %add3A_687 = arith.addf %add3A_681, %add3A_686 : vector<3x16xf32>
    %div3A_688 = arith.divf %add3A_684, %add3A_687 : vector<3x16xf32>
    %sub3A_689 = arith.constant 1.000000e+00 : f32
    %sub3A_690 = vector.broadcast %sub3A_689 : f32 to vector<3x16xf32>
    %sub3A_691 = arith.subf %sub3A_690, %div3A_688 : vector<3x16xf32>
    %div3A_692 = arith.constant 1.600000e+01 : f32
    %div3A_693 = vector.broadcast %div3A_692 : f32 to vector<3x16xf32>
    %div3A_694 = arith.divf %sub3A_691, %div3A_693 : vector<3x16xf32>
    %get3A_695 = arith.constant 0 : index
    %get3A_696 = arith.constant 0 : index
    %get3A_697 = vector.load %arg3[%get3A_695, %get3A_696] : memref<3x16xf32, #tpu.memory_space<vmem>>, vector<3x16xf32>
    %get3A_698 = arith.constant 0 : index
    %get3A_699 = arith.constant 0 : index
    %get3A_700 = vector.load %arg4[%get3A_698, %get3A_699] : memref<3x16xf32, #tpu.memory_space<vmem>>, vector<3x16xf32>
    %max3A_701 = arith.constant 1.000000e+00 : f32
    %max3A_702 = vector.broadcast %max3A_701 : f32 to vector<3x16xf32>
    %max3A_703 = arith.maximumf %get3A_700, %max3A_702 : vector<3x16xf32>
    %div3A_704 = arith.divf %get3A_697, %max3A_703 : vector<3x16xf32>
    %get3A_705 = arith.constant 0 : index
    %get3A_706 = arith.constant 0 : index
    %get3A_707 = vector.load %arg2[%get3A_705, %get3A_706] : memref<3x16xf32, #tpu.memory_space<vmem>>, vector<3x16xf32>
    %sub3A_708 = arith.subf %get3A_707, %div3A_704 : vector<3x16xf32>
    %integer_pow3A = arith.mulf %sub3A_708, %sub3A_708 : vector<3x16xf32>
    %div3A_709 = arith.constant 1.600000e+01 : f32
    %div3A_710 = vector.broadcast %div3A_709 : f32 to vector<3x16xf32>
    %div3A_711 = arith.divf %integer_pow3A, %div3A_710 : vector<3x16xf32>
    %mul3A_712 = arith.constant 2.000000e+01 : f32
    %mul3A_713 = vector.broadcast %mul3A_712 : f32 to vector<3x16xf32>
    %mul3A_714 = arith.mulf %div3A_663, %mul3A_713 : vector<3x16xf32>
    %mul3A_715 = arith.constant 1.000000e+00 : f32
    %mul3A_716 = vector.broadcast %mul3A_715 : f32 to vector<3x16xf32>
    %mul3A_717 = arith.mulf %div3A_694, %mul3A_716 : vector<3x16xf32>
    %add3A_718 = arith.addf %mul3A_714, %mul3A_717 : vector<3x16xf32>
    %slice3A_719 = vector.extract_strided_slice %add3A_718 {offsets = [0, 0], sizes = [1, 16], strides = [1, 1]} : vector<3x16xf32> to vector<1x16xf32>
    %slice3A_720 = vector.extract_strided_slice %add3A_718 {offsets = [1, 0], sizes = [1, 16], strides = [1, 1]} : vector<3x16xf32> to vector<1x16xf32>
    %slice3A_721 = vector.extract_strided_slice %add3A_718 {offsets = [2, 0], sizes = [1, 16], strides = [1, 1]} : vector<3x16xf32> to vector<1x16xf32>
    %le3A_722 = arith.cmpf ole, %slice3A_719, %slice3A_720 : vector<1x16xf32>
    %le3A_723 = arith.cmpf ole, %slice3A_719, %slice3A_721 : vector<1x16xf32>
    %and3A_724 = arith.andi %le3A_722, %le3A_723 : vector<1x16xi1>
    %not3A_725 = arith.constant dense<true> : vector<1x16xi1>
    %not3A_726 = arith.xori %and3A_724, %not3A_725 : vector<1x16xi1>
    %le3A_727 = arith.cmpf ole, %slice3A_720, %slice3A_721 : vector<1x16xf32>
    %and3A_728 = arith.andi %not3A_726, %le3A_727 : vector<1x16xi1>
    %slice3A_729 = vector.extract_strided_slice %div3A_663 {offsets = [0, 0], sizes = [1, 16], strides = [1, 1]} : vector<3x16xf32> to vector<1x16xf32>
    %slice3A_730 = vector.extract_strided_slice %div3A_663 {offsets = [1, 0], sizes = [1, 16], strides = [1, 1]} : vector<3x16xf32> to vector<1x16xf32>
    %slice3A_731 = vector.extract_strided_slice %div3A_663 {offsets = [2, 0], sizes = [1, 16], strides = [1, 1]} : vector<3x16xf32> to vector<1x16xf32>
    %select_n3A_732 = arith.select %and3A_728, %slice3A_730, %slice3A_731 : vector<1x16xi1>, vector<1x16xf32>
    %select_n3A_733 = arith.select %and3A_724, %slice3A_729, %select_n3A_732 : vector<1x16xi1>, vector<1x16xf32>
    %reduce_sum3A_734 = arith.constant dense<0.000000e+00> : vector<1xf32>
    %reduce_sum3A_735 = vector.multi_reduction <add>, %select_n3A_733, %reduce_sum3A_734 [1] : vector<1x16xf32> to vector<1xf32>
    %broadcast_in_dim3A_736 = vector.shape_cast %reduce_sum3A_735 : vector<1xf32> to vector<1x1xf32>
    %mul3A_737 = arith.constant 2.000000e+01 : f32
    %mul3A_738 = vector.broadcast %mul3A_737 : f32 to vector<1x1xf32>
    %mul3A_739 = arith.mulf %mul3A_738, %broadcast_in_dim3A_736 : vector<1x1xf32>
    %slice3A_740 = vector.extract_strided_slice %div3A_694 {offsets = [0, 0], sizes = [1, 16], strides = [1, 1]} : vector<3x16xf32> to vector<1x16xf32>
    %slice3A_741 = vector.extract_strided_slice %div3A_694 {offsets = [1, 0], sizes = [1, 16], strides = [1, 1]} : vector<3x16xf32> to vector<1x16xf32>
    %slice3A_742 = vector.extract_strided_slice %div3A_694 {offsets = [2, 0], sizes = [1, 16], strides = [1, 1]} : vector<3x16xf32> to vector<1x16xf32>
    %select_n3A_743 = arith.select %and3A_728, %slice3A_741, %slice3A_742 : vector<1x16xi1>, vector<1x16xf32>
    %select_n3A_744 = arith.select %and3A_724, %slice3A_740, %select_n3A_743 : vector<1x16xi1>, vector<1x16xf32>
    %reduce_sum3A_745 = arith.constant dense<0.000000e+00> : vector<1xf32>
    %reduce_sum3A_746 = vector.multi_reduction <add>, %select_n3A_744, %reduce_sum3A_745 [1] : vector<1x16xf32> to vector<1xf32>
    %broadcast_in_dim3A_747 = vector.shape_cast %reduce_sum3A_746 : vector<1xf32> to vector<1x1xf32>
    %mul3A_748 = arith.constant 1.000000e+00 : f32
    %mul3A_749 = vector.broadcast %mul3A_748 : f32 to vector<1x1xf32>
    %mul3A_750 = arith.mulf %mul3A_749, %broadcast_in_dim3A_747 : vector<1x1xf32>
    %add3A_751 = arith.addf %mul3A_739, %mul3A_750 : vector<1x1xf32>
    %slice3A_752 = vector.extract_strided_slice %div3A_711 {offsets = [0, 0], sizes = [1, 16], strides = [1, 1]} : vector<3x16xf32> to vector<1x16xf32>
    %slice3A_753 = vector.extract_strided_slice %div3A_711 {offsets = [1, 0], sizes = [1, 16], strides = [1, 1]} : vector<3x16xf32> to vector<1x16xf32>
    %slice3A_754 = vector.extract_strided_slice %div3A_711 {offsets = [2, 0], sizes = [1, 16], strides = [1, 1]} : vector<3x16xf32> to vector<1x16xf32>
    %select_n3A_755 = arith.select %and3A_728, %slice3A_753, %slice3A_754 : vector<1x16xi1>, vector<1x16xf32>
    %select_n3A_756 = arith.select %and3A_724, %slice3A_752, %select_n3A_755 : vector<1x16xi1>, vector<1x16xf32>
    %reduce_sum3A_757 = arith.constant dense<0.000000e+00> : vector<1xf32>
    %reduce_sum3A_758 = vector.multi_reduction <add>, %select_n3A_756, %reduce_sum3A_757 [1] : vector<1x16xf32> to vector<1xf32>
    %broadcast_in_dim3A_759 = vector.shape_cast %reduce_sum3A_758 : vector<1xf32> to vector<1x1xf32>
    %mul3A_760 = arith.constant 1.000000e+00 : f32
    %mul3A_761 = vector.broadcast %mul3A_760 : f32 to vector<1x1xf32>
    %mul3A_762 = arith.mulf %mul3A_761, %broadcast_in_dim3A_759 : vector<1x1xf32>
    %add3A_763 = arith.addf %add3A_751, %mul3A_762 : vector<1x1xf32>
    %swap3A = arith.constant 0 : index
    %swap3A_764 = arith.constant 0 : index
    %swap3A_765 = vector.load %arg5[%swap3A, %swap3A_764] : memref<1x1xf32, #tpu.memory_space<vmem>>, vector<1x1xf32>
    tpu.vector_store %arg5[%swap3A, %swap3A_764], %add3A_763 {strides = array<i32>} : memref<1x1xf32, #tpu.memory_space<vmem>>, vector<1x1xf32>,
    return
  }
}

</mosaic_0001>

<sc_bundles>
// kernel: kernel.5.cloned.1.call-start
scs
__scs_entry_jumppad:
0x0: {  	(pc) =	sbr.rel $0x88, $3  }
0x1: {  	(tag) =	ssettag $0x0;
	lr =	simm.s32 $0x1  }
0x2: {  	[smem:$0x3F9E] =	sst lr;
	_ =	strace $0xD0000000  }
0x3: {  	_ = 	snop  }
0x4: {  	_ = 	snop  }
0x5: {  	_ = 	snop  }
0x6: {  	_ = 	snop  }
0x7: {  	_ = 	snop  }
__scs_overlays_trampoline_lowered:
0x8: {  	[smem:$0x3FAD] =	sst s0  }
0x9: {  	[smem:$0x3FAE] =	sst s1  }
0xa: {  	[smem:$0x3FAF] =	sst s2  }
0xb: {  	[smem:$0x3FB0] =	sst s3  }
0xc: {  	[smem:$0x3FB1] =	sst s4  }
0xd: {  	[smem:$0x3FB2] =	sst s5  }
0xe: {  	[smem:$0x3FB3] =	sst s6  }
0xf: {  	[smem:$0x3FB4] =	sst s7  }
0x10: {  	[smem:$0x3FB5] =	sst s8  }
0x11: {  	[smem:$0x3FB6] =	sst s9;
	s0 =	simm.s32 @!p0 $0x0  }
0x12: {  	s1 =	sld [smem:$0x3F9C];
	s0 =	simm.s32 @p0 $0x1  }
0x13: {  	[smem:$0x3FB7] =	sst s0;
	s0 =	simm.s32 @!p1 $0x0  }
0x14: {  	s2 =	sld [smem:$0x3F9B];
	s0 =	simm.s32 @p1 $0x1  }
0x15: {  	[smem:$0x3FB8] =	sst s0;
	s0 =	simm.s32 @!p2 $0x0  }
0x16: {  	s3 =	sld [smem:$0x3FDB];
	s0 =	simm.s32 @p2 $0x1  }
0x17: {  	s4 =	simm.s32 $0x1BF5;
	[smem:$0x3FBA] =	sst s0  }
0x18: {  	s0 =	sld [smem:$0x3F9D];
	_ =	swait.ge [sflag:s4], $0x0  }
0x19: {  	s7 =	sld [smem:$0x3F9E]  }
0x1a: {  	s8 =	sadd.s32 $0xFFFFE003, lr  }
0x1b: {  	s9 =	sadd.s32 $0xFFFFFEF7, lr;
	s5 =	simm.s32 $0xFFFFFFFF;
	p2 =	slt.u32 s8, $0xFFFFF086  }
0x1c: {  	p1 =	slt.u32 s9, $0xF7A;
	s5 =	simm.s32 @!p2 $0x0  }
0x1d: {  	s5 =	simm.s32 @p1 $0x1;
	p0 =	seq.s32 s7, s2  }
0x1e: {  	s7 =	smul.u32 @!p0 $0xF7A, s2;
	p2 =	seq.s32 @!p0 s5, $0x0  }
0x1f: {  	s9 =	smul.u32 $0xF7A, s1;
	s8 =	simm.s32 @!p0 $0x1BF5;
	p2 =	por !p2, p0  }
0x20: {  	[sflag:s8] =	ssyncset.s32 @!p0 $0xFFFFF086;
	s6 =	sadd.s32 @!p0 s3, s7;
	s7 =	simm.s32 @!p0 $0x108  }
0x21: {  	s3 =	sadd.s32 s3, s9;
	s6 =	sadd.s32 @!p0 $0x88, s6;
	s7 =	simm.s32 @p2 $0x1082  }
0x22: {  	[simem:s7], [sflag:s8] =	dma.local @!p0 [hbm:s6], $0xF7A  }
0x23: {  	s9 =	sor.u32 $0xD0000000, s2;
	s6 =	simm.s32 $0x108;
	_ =	swait.ge @!p0 [sflag:s8], $0x0  }
0x24: {  	s3 =	sadd.s32 $0x88, s3;
	s6 =	simm.s32 @!p1 $0x1082;
	[sflag:s4] =	ssyncset.s32 $0xFFFFF086  }
0x25: {  	[simem:s6], [sflag:s4] =	dma.local [hbm:s3], $0xF7A  }
0x26: {  	[smem:$0x3F9E] =	sst s1;
	(tag) =	ssettag s2;
	_ =	strace s9  }
0x27: {  	s1 =	sld [smem:$0x3FAE]  }
0x28: {  	s2 =	sld [smem:$0x3FAF]  }
0x29: {  	s4 =	sld [smem:$0x3FB1]  }
0x2a: {  	p0 =	seq.s32 s5, $0x0;
	s5 =	sld [smem:$0x3FB2]  }
0x2b: {  	s6 =	sld [smem:$0x3FB3]  }
0x2c: {  	s7 =	sld [smem:$0x3FB4]  }
0x2d: {  	s3 =	simm.s32 $0x108;
	s8 =	sld [smem:$0x3FB5]  }
0x2e: {  	s3 =	simm.s32 @!p0 $0x1082;
	s9 =	sld [smem:$0x3FB6]  }
0x2f: {  	lr =	sadd.s32 s0, s3;
	s0 =	sld [smem:$0x3FAD]  }
0x30: {  	s3 =	sld [smem:$0x3FB0]  }
0x31: {  	[smem:$0x3FB9] =	sst s10  }
0x32: {  	s10 =	sld [smem:$0x3FB7];
	_ =	sdelay $0x3  }
0x33: {  	p0 =	seq.s32 s10, $0x1;
	s10 =	sld [smem:$0x3FB9];
	_ =	sdelay $0x3  }
0x34: {  	[smem:$0x3FB9] =	sst s10  }
0x35: {  	s10 =	sld [smem:$0x3FB8];
	_ =	sdelay $0x3  }
0x36: {  	p1 =	seq.s32 s10, $0x1;
	s10 =	sld [smem:$0x3FB9];
	_ =	sdelay $0x3  }
0x37: {  	[smem:$0x3FB9] =	sst s10  }
0x38: {  	s10 =	sld [smem:$0x3FBA]  }
0x39: {  	_ = 	snop;
	(pc) =	sbr.ind lr, $3  }
0x3a: {  	_ = 	snop  }
0x3b: {  	_ = 	snop  }
0x3c: {  	p2 =	seq.s32 s10, $0x1;
	s10 =	sld [smem:$0x3FB9]  }
0x3d: {  	_ =	shalt  }
0x3e: {  	_ =	shalt  }
0x3f: {  	_ =	shalt  }
0x40: {  	_ =	shalt  }
0x41: {  	_ =	shalt  }
0x42: {  	_ =	shalt  }
0x43: {  	_ =	shalt  }
0x44: {  	_ =	shalt  }
0x45: {  	_ =	shalt  }
0x46: {  	_ =	shalt  }
0x47: {  	_ =	shalt  }
0x48: {  	_ =	shalt  }
0x49: {  	_ =	shalt  }
0x4a: {  	_ =	shalt  }
0x4b: {  	_ =	shalt  }
0x4c: {  	_ =	shalt  }
0x4d: {  	_ =	shalt  }
0x4e: {  	_ =	shalt  }
0x4f: {  	_ =	shalt  }
0x50: {  	_ =	shalt  }
0x51: {  	_ =	shalt  }
0x52: {  	_ =	shalt  }
0x53: {  	_ =	shalt  }
0x54: {  	_ =	shalt  }
0x55: {  	_ =	shalt  }
0x56: {  	_ =	shalt  }
0x57: {  	_ =	shalt  }
0x58: {  	_ =	shalt  }
0x59: {  	_ =	shalt  }
0x5a: {  	_ =	shalt  }
0x5b: {  	_ =	shalt  }
0x5c: {  	_ =	shalt  }
0x5d: {  	_ =	shalt  }
0x5e: {  	_ =	shalt  }
0x5f: {  	_ =	shalt  }
0x60: {  	_ =	shalt  }
0x61: {  	_ =	shalt  }
0x62: {  	_ =	shalt  }
0x63: {  	_ =	shalt  }
0x64: {  	_ =	shalt  }
0x65: {  	_ =	shalt  }
0x66: {  	_ =	shalt  }
0x67: {  	_ =	shalt  }
0x68: {  	_ =	shalt  }
0x69: {  	_ =	shalt  }
0x6a: {  	_ =	shalt  }
0x6b: {  	_ =	shalt  }
0x6c: {  	_ =	shalt  }
0x6d: {  	_ =	shalt  }
0x6e: {  	_ =	shalt  }
0x6f: {  	_ =	shalt  }
0x70: {  	_ =	shalt  }
0x71: {  	_ =	shalt  }
0x72: {  	_ =	shalt  }
0x73: {  	_ =	shalt  }
0x74: {  	_ =	shalt  }
0x75: {  	_ =	shalt  }
0x76: {  	_ =	shalt  }
0x77: {  	_ =	shalt  }
0x78: {  	_ =	shalt  }
0x79: {  	_ =	shalt  }
0x7a: {  	_ =	shalt  }
0x7b: {  	_ =	shalt  }
0x7c: {  	_ =	shalt  }
0x7d: {  	_ =	shalt  }
0x7e: {  	_ =	shalt  }
0x7f: {  	_ =	shalt  }
0x80: {  	_ =	shalt  }
0x81: {  	_ =	shalt  }
0x82: {  	_ =	shalt  }
0x83: {  	_ =	shalt  }
0x84: {  	_ =	shalt  }
0x85: {  	_ =	shalt  }
0x86: {  	_ =	shalt  }
0x87: {  	_ =	shalt  }
.Lfunc_end0:
.L_simem_size_0:
called_computation_lowered:
.L_overlay_start_0:
0x88: {  	s2 =	sld [smem:$0x3FD9]  }
0x89: {  	s3 =	sld [smem:$0x3FFE];
	_ =	sdelay $0x1  }
0x8a: {  	s1 =	srdreg.scid  }
0x8b: {  	s0 =	sand.u32 $0x1, s1  }
0x8c: {  	s17 =	sshll.u32 s0, $0xA;
	s2 =	sadd.s32 s3, s2  }
0x8d: {  	s2 =	sadd.s32 s2, s17  }
0x8e: {  	[smem:$0x3FC5] =	sst s2  }
0x8f: {  	_ = 	snop  }
0x90: {  	s2 =	sld [smem:$0x3FC9]  }
0x91: {  	s18 =	sld [smem:$0x3FC7];
	(tm) =	ssettm $0x1  }
0x92: {  	s4 =	sld [smem:$0x3FFB];
	_ =	sdelay $0x3  }
0x93: {  	_ =	strace s4  }
0x94: {  	s4 =	sld [smem:$0x3FFC];
	_ =	sdelay $0x3  }
0x95: {  	_ =	strace s4  }
0x96: {  	s4 =	sld [smem:$0x3FFD];
	_ =	sdelay $0x3  }
0x97: {  	_ =	strace s4  }
0x98: {  	_ =	strace $0x8FFFFFFF  }
0x99: {  	s19 =	sld [smem:$0x3FDB];
	_ =	sdelay $0x1  }
0x9a: {  	s5 =	simm.s32 $_scs_section_size  }
0x9b: {  	s6 =	simm.s32 $_size__tile_overlayer_lowered;
	s7 =	simm.s32 $_tile_overlayer_lowered  }
0x9c: {  	s22 =	simm.s32 $0x1BFF;
	s21 =	sshll.u32 s7, $0x1;
	s4 =	sadd.s32 s5, s19  }
0x9d: {  	s8 =	simm.s32 $0x0;
	s20 =	sshll.u32 s6, $0x1;
	s6 =	sadd.s32 s21, s4  }
0x9e: {  	[timem:s8], [sflag:s22] =	dma.local [hbm:s6], s20  }
0x9f: {  	_ =	swait.ge [sflag:s22], s20  }
0xa0: {  	s5 =	ssub.s32 $0x0, s20;
	[sflag:s22] =	ssyncset.done $0x0  }
0xa1: {  	[sflag:s22] =	ssyncadd.s32 s5;
	_ =	sdelay $0x1  }
0xa2: {  	s23 =	simm.s32 $0x1B8B  }
0xa3: {  	_ =	swait.ge [sflag:s23], $0x1  }
0xa4: {  	[sflag:s23] =	ssyncset.done $0x0  }
0xa5: {  	s25 =	simm.s32 $0x1B8E;
	s24 =	sld [smem:$0x3FFE];
	[sflag:s23] =	ssyncadd.s32 $0xFFFFFFFF  }
0xa6: {  	s26 =	simm.s32 $execute0_lowered;
	[smem:$0x3FD2] =	sst s25  }
0xa7: {  	s6 =	sshll.u32 s26, $0x1;
	_ =	strace $0x80000046;
	[dreg:$0x1] =	wrdreg $0xFFFFFFFF  }
0xa8: {  	s28 =	simm.s32 $_size_execute0_lowered;
	s4 =	sadd.s32 s4, s6;
	[dreg:$0x0] =	wrdreg $0x0  }
0xa9: {  	s6 =	sshll.u32 s28, $0x1;
	[dreg:$0x2] =	wrdreg s4  }
0xaa: {  	[dreg:$0x3] =	wrdreg s6  }
0xab: {  	[dreg:$0x4] =	wrdreg $0xC0  }
0xac: {  	_ =	task [dreg:s8], $0x5FFFF  }
0xad: {  	[dreg:$0x1] =	wrdreg $0xFFFFFFFF  }
0xae: {  	[dreg:$0x0] =	wrdreg $0x60  }
0xaf: {  	[dreg:$0x2] =	wrdreg s2  }
0xb0: {  	[dreg:$0x3] =	wrdreg s24  }
0xb1: {  	[dreg:$0x4] =	wrdreg s18  }
0xb2: {  	[dreg:$0x5] =	wrdreg $0x9  }
0xb3: {  	_ =	task.clear_ibuf [dreg:s8], $0x6FFFF;
	_ =	strace $0x90000046  }
0xb4: {  	s29 =	simm.s32 $0x9;
	_ =	strace $0x80000048  }
0xb5: {  	_ =	swait.ge [sflag:s29], $0x1  }
0xb6: {  	[sflag:s29] =	ssyncadd.s32 $0xFFFFFFFF  }
0xb7: {  	_ =	strace $0x90000048  }
0xb8: {  	_ =	sfence  }
0xb9: {  	s30 =	sld [smem:$0x0];
	_ =	sdelay $0x2  }
0xba: {  	s31 =	sshll.u32 s1, $0xD;
	s1 =	sshrl.u32 s1, $0x2  }
0xbb: {  	s3 =	sand.u32 $0x4000, s31;
	s1 =	sadd.s32 s1, s30  }
0xbc: {  	s0 =	sor.u32 s3, s0;
	s1 =	sshll.u32 s1, $0x11  }
0xbd: {  	s0 =	sor.u32 s1, s0  }
0xbe: {  	s0 =	sadd.s32 $0x8F2B, s0  }
0xbf: {  	[sflag:s0] =	ssyncadd.remote.s32 $0x1  }
0xc0: {  	_ =	sfence.sel $0xFFFF  }
0xc1: {  	[dreg:$0x0] =	wrdreg $0xFFFFFFFF;
	(pc) =	sbr.abs _section_cstart, $3  }
0xc2: {  	[dreg:$0x1] =	wrdreg $0xFFFFFFFF  }
0xc3: {  	_ =	task.clear_ibuf [dreg:s8], $0x2FFFF;
	_ =	strace $0x9FFFFFFF  }
0xc4: {  	(tm) =	ssettm $0x7FFFFFFF  }
0xc5: {  	_ =	shalt  }
tec
execute0_lowered:
.L_overlay_start_1:
0x0: {  	(tag) =	ssettag $0x1  }
0x1: {  	s1 =	rddreg [dreg:$0x0]  }
0x2: {  	s2 =	rddreg [dreg:$0x1]  }
0x3: {  	s4 =	srdreg.scid;
	s0 =	stileid.u32  }
0x4: {  	s3 =	rddreg [dreg:$0x2];
	s13 =	simm.s32 $0xD00;
	s14 =	simm.s32 $0x3400  }
0x5: {  	s15 =	simm.s32 $0x1A00;
	s16 =	simm.s32 $0x4100;
	s17 =	simm.s32 $0x2700  }
0x6: {  	s18 =	simm.s32 $0x4E00;
	s19 =	simm.s32 $0x5B00;
	s20 =	simm.s32 $0x1  }
0x7: {  	s21 =	simm.s32 $0x2;
	s22 =	simm.s32 $0x3;
	s23 =	simm.s32 $0x4  }
0x8: {  	s5 =	sand.u32 $0x1, s4;
	s6 =	sshll.u32 s0, $0x1;
	s10 =	smul.u32 $0x1A00, s0  }
0x9: {  	s4 =	simm.s32 $0x0;
	s6 =	sor.u32 s5, s6;
	s12 =	smul.u32 $0xD00, s5  }
0xa: {  	[smem:$0x7FF] =	sst s4;
	s7 =	ssub.s32 $0x2, s5;
	s6 =	smul.u32 $0xD00, s6  }
0xb: {  	s24 =	simm.s32 $0x0;
	_ =	strace $0x80000047;
	s8 =	sshrl.u32 s7, $0x1  }
0xc: {  	s11 =	ssub.s32 s7, s8;
	s31 =	sadd.s32 s12, s10;
	s6 =	sshrl.u32 s6, $0x3  }
0xd: {  	s12 =	simm.s32 $0x5;
	s10 =	smax.u32 s11, $0x1;
	s2 =	sadd.s32 s6, s2  }
0xe: {  	s11 =	sor.u32 $0x30, s31;
	s5 =	sadd.s32 $0x1200, s2;
	s6 =	sadd.s32 $0x4600, s2  }
0xf: {  	v0 =	vimm.s32 $0x0;
	s7 =	sadd.s32 $0x7A00, s2;
	s8 =	sadd.s32 $0xAE00, s2;
	s9 =	sadd.s32 $0xE200, s2  }
.LBB2_1:
0x10: {  	[tilespmem:s4], [sflag:$0x5] =	stream.linear.gather [hbm4b:s5+s4], $0xD00, $0x38;
	[tilespmem:$0x6800] =	vst v63  }
0x11: {  	_ =	swait.ge [sflag:s12], $0xD00  }
0x12: {  	[sflag:s12] =	ssyncset.done $0x0  }
0x13: {  	s2 =	simm.s32 $0x20;
	s25 =	sadd.s32 $0xFFFFFFD0, s11;
	[sflag:s12] =	ssyncadd.s32 $0xFFFFF300  }
0x14: {  	v1 =	vmov s25;
	v2 =	vld [tilespmem:s2+$0xFFFFFFE0]  }
0x15: {  	vm0 =	vgt.u32 v1, $0xCFFF;
	v1 =	vshrl.u32 v1, $0x7  }
0x16: {  	v3 =	vsel vm0, $0x8, v0;
	v1 =	vand.u32 $0x7, v1  }
0x17: {  	v1 =	vor.u32 v1, v3  }
0x18: {  	v1 =	vshll.u32 v1, $0x13  }
0x19: {  	s26 =	simm.s32 $0xD20;
	v1 =	vadd.s32 v1, v2  }
0x1a: {  	s28 =	simm.s32 $0x1A20;
	[tilespmem:s26+$0xFFFFFFE0] =	vst v1;
	v2 =	vadd.s32 $0x40000, v1  }
0x1b: {  	s25 =	simm.s32 $0x2720;
	v1 =	vadd.s32 $0x80000, v1;
	[tilespmem:s28+$0xFFFFFFE0] =	vst v2  }
0x1c: {  	s29 =	sadd.s32 $0xFFFFFFE0, s11;
	[tilespmem:s25+$0xFFFFFFE0] =	vst v1  }
0x1d: {  	v1 =	vmov s29;
	v2 =	vld [tilespmem:s2+$0xFFFFFFF0]  }
0x1e: {  	vm13 =	vgt.u32 v1, $0xCFFF;
	v1 =	vshrl.u32 v1, $0x7  }
0x1f: {  	v3 =	vsel vm13, $0x8, v0;
	v1 =	vand.u32 $0x7, v1  }
0x20: {  	v1 =	vor.u32 v1, v3  }
0x21: {  	v1 =	vshll.u32 v1, $0x13  }
0x22: {  	v1 =	vadd.s32 v1, v2  }
0x23: {  	[tilespmem:s26+$0xFFFFFFF0] =	vst v1;
	v2 =	vadd.s32 $0x40000, v1  }
0x24: {  	v1 =	vadd.s32 $0x80000, v1;
	[tilespmem:s28+$0xFFFFFFF0] =	vst v2  }
0x25: {  	s29 =	sadd.s32 $0xFFFFFFF0, s11;
	[tilespmem:s25+$0xFFFFFFF0] =	vst v1  }
0x26: {  	v1 =	vmov s29;
	v2 =	vld [tilespmem:s2+$0x0]  }
0x27: {  	vm14 =	vgt.u32 v1, $0xCFFF;
	v1 =	vshrl.u32 v1, $0x7  }
0x28: {  	v3 =	vsel vm14, $0x8, v0;
	v1 =	vand.u32 $0x7, v1  }
0x29: {  	v1 =	vor.u32 v1, v3  }
0x2a: {  	v1 =	vshll.u32 v1, $0x13  }
0x2b: {  	v1 =	vadd.s32 v1, v2  }
0x2c: {  	[tilespmem:s26+$0x0] =	vst v1;
	v2 =	vadd.s32 $0x40000, v1  }
0x2d: {  	v1 =	vadd.s32 $0x80000, v1;
	[tilespmem:s28+$0x0] =	vst v2  }
0x2e: {  	[tilespmem:s25+$0x0] =	vst v1  }
0x2f: {  	v1 =	vmov s11;
	v2 =	vld [tilespmem:s2+$0x10]  }
0x30: {  	vm15 =	vgt.u32 v1, $0xCFFF;
	v1 =	vshrl.u32 v1, $0x7  }
0x31: {  	v3 =	vsel vm15, $0x8, v0;
	v1 =	vand.u32 $0x7, v1  }
0x32: {  	v1 =	vor.u32 v1, v3  }
0x33: {  	v1 =	vshll.u32 v1, $0x13  }
0x34: {  	v1 =	vadd.s32 v1, v2  }
0x35: {  	s31 =	simm.s32 $0x4;
	s30 =	simm.s32 $0x60;
	[tilespmem:s26+$0x10] =	vst v1;
	v2 =	vadd.s32 $0x40000, v1  }
0x36: {  	s29 =	sadd.s32 $0x40, s11;
	s26 =	simm.s32 $0x1A60;
	v1 =	vadd.s32 $0x80000, v1;
	[tilespmem:s28+$0x10] =	vst v2;
	s28 =	simm.s32 $0xD60  }
.LBB2_2:
0x37: {  	s31 =	sadd.s32 $0x4, s31;
	s2 =	sadd.s32 $0xFFFFFFD0, s29;
	[tilespmem:s25+$0x10] =	vst v1;
	s25 =	sadd.s32 $0x40, s25  }
0x38: {  	p0 =	slt.u32 s31, $0xCC;
	v1 =	vmov s2;
	v2 =	vld [tilespmem:s30+$0xFFFFFFE0];
	s2 =	smov.u32 s26  }
0x39: {  	vm0 =	vgt.u32 v1, $0xCFFF;
	v1 =	vshrl.u32 v1, $0x7  }
0x3a: {  	v3 =	vsel vm0, $0x8, v0;
	v1 =	vand.u32 $0x7, v1  }
0x3b: {  	v1 =	vor.u32 v1, v3  }
0x3c: {  	v1 =	vshll.u32 v1, $0x13  }
0x3d: {  	v1 =	vadd.s32 v1, v2  }
0x3e: {  	[tilespmem:s28+$0xFFFFFFE0] =	vst v1;
	v2 =	vadd.s32 $0x40000, v1  }
0x3f: {  	v1 =	vadd.s32 $0x80000, v1;
	[tilespmem:s26+$0xFFFFFFE0] =	vst v2  }
0x40: {  	s0 =	sadd.s32 $0xFFFFFFE0, s29;
	[tilespmem:s25+$0xFFFFFFE0] =	vst v1  }
0x41: {  	v1 =	vmov s0;
	v2 =	vld [tilespmem:s30+$0xFFFFFFF0]  }
0x42: {  	vm0 =	vgt.u32 v1, $0xCFFF;
	v1 =	vshrl.u32 v1, $0x7  }
0x43: {  	v3 =	vsel vm0, $0x8, v0;
	v1 =	vand.u32 $0x7, v1  }
0x44: {  	v1 =	vor.u32 v1, v3  }
0x45: {  	v1 =	vshll.u32 v1, $0x13  }
0x46: {  	v1 =	vadd.s32 v1, v2  }
0x47: {  	[tilespmem:s28+$0xFFFFFFF0] =	vst v1;
	v2 =	vadd.s32 $0x40000, v1  }
0x48: {  	v1 =	vadd.s32 $0x80000, v1;
	[tilespmem:s26+$0xFFFFFFF0] =	vst v2  }
0x49: {  	s0 =	sadd.s32 $0xFFFFFFF0, s29;
	[tilespmem:s25+$0xFFFFFFF0] =	vst v1  }
0x4a: {  	v1 =	vmov s0;
	v2 =	vld [tilespmem:s30+$0x0]  }
0x4b: {  	vm0 =	vgt.u32 v1, $0xCFFF;
	v1 =	vshrl.u32 v1, $0x7  }
0x4c: {  	v3 =	vsel vm0, $0x8, v0;
	v1 =	vand.u32 $0x7, v1  }
0x4d: {  	v1 =	vor.u32 v1, v3  }
0x4e: {  	v1 =	vshll.u32 v1, $0x13  }
0x4f: {  	v1 =	vadd.s32 v1, v2  }
0x50: {  	[tilespmem:s28+$0x0] =	vst v1;
	v2 =	vadd.s32 $0x40000, v1  }
0x51: {  	v1 =	vadd.s32 $0x80000, v1;
	[tilespmem:s26+$0x0] =	vst v2  }
0x52: {  	[tilespmem:s25+$0x0] =	vst v1  }
0x53: {  	v1 =	vmov s29;
	v2 =	vld [tilespmem:s30+$0x10]  }
0x54: {  	vm0 =	vgt.u32 v1, $0xCFFF;
	v1 =	vshrl.u32 v1, $0x7  }
0x55: {  	v3 =	vsel vm0, $0x8, v0;
	v1 =	vand.u32 $0x7, v1  }
.Ltmp0:
0x56: {  	v1 =	vor.u32 v1, v3;
	(pc) =	sbr.rel @p0 .LBB2_2-.Ltmp0, $4  }
0x57: {  	v1 =	vshll.u32 v1, $0x13  }
0x58: {  	v1 =	vadd.s32 v1, v2  }
0x59: {  	s26 =	sadd.s32 $0x40, s26;
	[tilespmem:s28+$0x10] =	vst v1;
	v2 =	vadd.s32 $0x40000, v1  }
0x5a: {  	s29 =	sadd.s32 $0x40, s29;
	s30 =	sadd.s32 $0x40, s30;
	v1 =	vadd.s32 $0x80000, v1;
	s28 =	sadd.s32 $0x40, s28;
	[tilespmem:s2+$0x10] =	vst v2  }
0x5b: {  	s0 =	sadd.s32 $0xFFFFFFD0, s29;
	[tilespmem:s25+$0x10] =	vst v1  }
0x5c: {  	v1 =	vmov s0;
	v2 =	vld [tilespmem:s30+$0xFFFFFFE0]  }
0x5d: {  	vm0 =	vgt.u32 v1, $0xCFFF;
	v1 =	vshrl.u32 v1, $0x7  }
0x5e: {  	v3 =	vsel vm0, $0x8, v0;
	v1 =	vand.u32 $0x7, v1  }
0x5f: {  	v1 =	vor.u32 v1, v3  }
0x60: {  	v1 =	vshll.u32 v1, $0x13  }
0x61: {  	v1 =	vadd.s32 v1, v2  }
0x62: {  	[tilespmem:s28+$0xFFFFFFE0] =	vst v1;
	v2 =	vadd.s32 $0x40000, v1  }
0x63: {  	s25 =	sadd.s32 $0x40, s25;
	v1 =	vadd.s32 $0x80000, v1;
	[tilespmem:s26+$0xFFFFFFE0] =	vst v2  }
0x64: {  	s2 =	sadd.s32 $0xFFFFFFE0, s29;
	[tilespmem:s25+$0xFFFFFFE0] =	vst v1  }
0x65: {  	v1 =	vmov s2;
	v2 =	vld [tilespmem:s30+$0xFFFFFFF0]  }
0x66: {  	vm13 =	vgt.u32 v1, $0xCFFF;
	v1 =	vshrl.u32 v1, $0x7  }
0x67: {  	v3 =	vsel vm13, $0x8, v0;
	v1 =	vand.u32 $0x7, v1  }
0x68: {  	v1 =	vor.u32 v1, v3  }
0x69: {  	v1 =	vshll.u32 v1, $0x13  }
0x6a: {  	v1 =	vadd.s32 v1, v2  }
0x6b: {  	[tilespmem:s28+$0xFFFFFFF0] =	vst v1;
	v2 =	vadd.s32 $0x40000, v1  }
0x6c: {  	v1 =	vadd.s32 $0x80000, v1;
	[tilespmem:s26+$0xFFFFFFF0] =	vst v2  }
0x6d: {  	s31 =	sadd.s32 $0xFFFFFFF0, s29;
	[tilespmem:s25+$0xFFFFFFF0] =	vst v1  }
0x6e: {  	v1 =	vmov s31;
	v2 =	vld [tilespmem:s30+$0x0]  }
0x6f: {  	vm14 =	vgt.u32 v1, $0xCFFF;
	v1 =	vshrl.u32 v1, $0x7  }
0x70: {  	v3 =	vsel vm14, $0x8, v0;
	v1 =	vand.u32 $0x7, v1  }
0x71: {  	v1 =	vor.u32 v1, v3  }
0x72: {  	v1 =	vshll.u32 v1, $0x13  }
0x73: {  	v1 =	vadd.s32 v1, v2  }
0x74: {  	[tilespmem:s28+$0x0] =	vst v1;
	v2 =	vadd.s32 $0x40000, v1  }
0x75: {  	v1 =	vadd.s32 $0x80000, v1;
	[tilespmem:s26+$0x0] =	vst v2  }
0x76: {  	[tilespmem:s25+$0x0] =	vst v1  }
0x77: {  	v1 =	vmov s29;
	v2 =	vld [tilespmem:s30+$0x10]  }
0x78: {  	vm15 =	vgt.u32 v1, $0xCFFF;
	v1 =	vshrl.u32 v1, $0x7  }
0x79: {  	v3 =	vsel vm15, $0x8, v0;
	v1 =	vand.u32 $0x7, v1  }
0x7a: {  	v1 =	vor.u32 v1, v3  }
0x7b: {  	v1 =	vshll.u32 v1, $0x13  }
0x7c: {  	v1 =	vadd.s32 v1, v2  }
0x7d: {  	[tilespmem:s28+$0x10] =	vst v1;
	v2 =	vadd.s32 $0x40000, v1  }
0x7e: {  	v1 =	vadd.s32 $0x80000, v1;
	[tilespmem:s26+$0x10] =	vst v2  }
0x7f: {  	[tilespmem:s25+$0x10] =	vst v1  }
0x80: {  	[tilespmem:s14], [sflag:$0x1] =	stream.indirect.gather [hbm4b:s1+s13], $0x1, s13, s13, $0xb8;
	[tilespmem:$0x6800] =	vst v63  }
0x81: {  	_ = 	snop  }
0x82: {  	[tilespmem:s16], [sflag:$0x2] =	stream.indirect.gather [hbm4b:s1+s13], $0x1, s15, s13, $0xb8;
	[tilespmem:$0x6800] =	vst v63  }
0x83: {  	_ = 	snop  }
0x84: {  	[tilespmem:s18], [sflag:$0x3] =	stream.indirect.gather [hbm4b:s1+s13], $0x1, s17, s13, $0xb8;
	[tilespmem:$0x6800] =	vst v63  }
0x85: {  	_ = 	snop  }
0x86: {  	[tilespmem:s19], [sflag:$0x4] =	stream.indirect.gather [hbm4b:s3+s13], $0x1, s4, s13, $0xb8;
	[tilespmem:$0x6800] =	vst v63  }
0x87: {  	_ =	swait.ge [sflag:s20], $0xD00  }
0x88: {  	[sflag:s20] =	ssyncset.done $0x0  }
0x89: {  	[sflag:s20] =	ssyncadd.s32 $0xFFFFF300  }
0x8a: {  	_ =	swait.ge [sflag:s21], $0xD00  }
0x8b: {  	[sflag:s21] =	ssyncset.done $0x0  }
0x8c: {  	[sflag:s21] =	ssyncadd.s32 $0xFFFFF300  }
0x8d: {  	_ =	swait.ge [sflag:s22], $0xD00  }
0x8e: {  	[sflag:s22] =	ssyncset.done $0x0  }
0x8f: {  	[sflag:s22] =	ssyncadd.s32 $0xFFFFF300  }
0x90: {  	_ =	swait.ge [sflag:s23], $0xD00  }
0x91: {  	[sflag:s23] =	ssyncset.done $0x0  }
0x92: {  	[sflag:s23] =	ssyncadd.s32 $0xFFFFF300  }
0x93: {  	[hbm4b:s6+s4] =	stream.linear.scatter [tilespmem:s14], [sflag:$0x5], $0xD00, $0x38;
	[tilespmem:$0x6800] =	vst v63  }
0x94: {  	_ =	swait.ge [sflag:s12], $0xD00  }
0x95: {  	[sflag:s12] =	ssyncset.done $0x0  }
0x96: {  	[sflag:s12] =	ssyncadd.s32 $0xFFFFF300  }
0x97: {  	[hbm4b:s7+s4] =	stream.linear.scatter [tilespmem:s16], [sflag:$0x5], $0xD00, $0x38;
	[tilespmem:$0x6800] =	vst v63  }
0x98: {  	_ =	swait.ge [sflag:s12], $0xD00  }
0x99: {  	[sflag:s12] =	ssyncset.done $0x0  }
0x9a: {  	[sflag:s12] =	ssyncadd.s32 $0xFFFFF300  }
0x9b: {  	[hbm4b:s8+s4] =	stream.linear.scatter [tilespmem:s18], [sflag:$0x5], $0xD00, $0x38;
	[tilespmem:$0x6800] =	vst v63  }
0x9c: {  	s24 =	sadd.s32 $0x1, s24;
	_ =	swait.ge [sflag:s12], $0xD00  }
0x9d: {  	p0 =	sne.s32 s24, s10;
	[sflag:s12] =	ssyncset.done $0x0  }
.Ltmp1:
0x9e: {  	[sflag:s12] =	ssyncadd.s32 $0xFFFFF300;
	(pc) =	sbr.rel @p0 .LBB2_1-.Ltmp1, $4  }
0x9f: {  	[hbm4b:s9+s4] =	stream.linear.scatter [tilespmem:s19], [sflag:$0x5], $0xD00, $0x38;
	[tilespmem:$0x6800] =	vst v63  }
0xa0: {  	_ =	swait.ge [sflag:s12], $0xD00  }
0xa1: {  	[sflag:s12] =	ssyncset.done $0x0  }
0xa2: {  	[sflag:s12] =	ssyncadd.s32 $0xFFFFF300  }
0xa3: {  	_ =	sfence.sel $0x180000  }
0xa4: {  	[bflag:$0x0] =	sbarrier.arrive $0xFFFF  }
0xa5: {  	_ =	strace $0x90000047  }
0xa6: {  	s0 =	stileid.u32;
	[bflag:$0x2] =	sbarrier.arrive $0xFFFF  }
0xa7: {  	p0 =	sne.s32 s0, $0x0;
	s0 =	rddreg [dreg:$0x3]  }
0xa8: {  	s0 =	sadd.s32 @!p0 $0x100000, s0  }
0xa9: {  	[sflag:s0] =	ssyncadd.tile.s32 @!p0 $0x1;
	_ =	shalt  }
.Lfunc_end2:
_tile_overlayer_lowered:
.L_overlay_start_2:
0xaa: {  	(tag) =	ssettag $0x2  }
0xab: {  	s0 =	rddreg [dreg:$0x0];
	s2 =	stileid.u32  }
0xac: {  	s1 =	rddreg [dreg:$0x1];
	p0 =	sne.s32 s2, $0x0  }
0xad: {  	s3 =	rddreg [dreg:$0x2];
	[bflag:$0x3] =	sbarrier.arrive $0xFFFF;
	s2 =	simm.s32 @!p0 $0x1C05  }
0xae: {  	[timem:s3], [sflag:s2] =	dma.local @!p0 [hbm:s0], s1  }
0xaf: {  	s0 =	simm.s32 @!p0 $0x5  }
0xb0: {  	_ =	swait.ge @!p0 [sflag:s0], s1  }
0xb1: {  	s1 =	ssub.s32 @!p0 $0x0, s1;
	[sflag:s0] =	ssyncset.done @!p0 $0x0  }
0xb2: {  	[sflag:s0] =	ssyncadd.s32 @!p0 s1  }
0xb3: {  	[bflag:$0x3] =	sbarrier.arrive $0xFFFF  }
0xb4: {  	_ =	shalt  }

</sc_bundles>
